<compile_context>
chip_gen: v7x
topology: tpu7x:2x2x1
jax: 0.10.2.dev20260603
libtpu: 0.0.44.dev20260713+nightly
codegen_flags: <defaults>
</compile_context>

<pallas_src>
import jax
import jax.numpy as jnp
from jax import lax
from jax.experimental import pallas as pl
from jax.experimental.pallas import tpu as pltpu
from jax.experimental.pallas import tpu_sc as plsc

BATCH = 4096
SEQ = 200
D = 64
NC = 2
NS = 16
NW = NC * NS
ROWS = BATCH * SEQ
RPW = ROWS // NW
BPW = BATCH // NW
CHUNKS = RPW // SEQ
G1 = 104
G2 = SEQ - G1
LANES = 16
GRP = 8


def _sc_body(idx_h, table_h, pe_h, out_h, idx_v, pe_v, *bufs_sems):
    wid = lax.axis_index("s") * NC + lax.axis_index("c")
    rbase = wid * RPW
    bbase = wid * BPW

    pltpu.sync_copy(pe_h, pe_v)

    def issue(k, buf, sem):
        row0 = k * SEQ
        h1 = pltpu.async_copy(
            table_h.at[idx_v.at[pl.ds(row0, G1)]],
            buf.at[pl.ds(0, G1)], sem)
        h2 = pltpu.async_copy(
            table_h.at[idx_v.at[pl.ds(row0 + G1, G2)]],
            buf.at[pl.ds(G1, G2)], sem)
        return h1, h2

    def consume(c, buf, handles, wsem):
        handles[0].wait()
        handles[1].wait()

        @pl.loop(0, SEQ)
        def _row(r):
            for j in range(D // LANES):
                sl = pl.ds(j * LANES, LANES)
                buf[r, sl] = buf[r, sl] + pe_v[r, sl]

        return pltpu.async_copy(buf, out_h.at[bbase + c], wsem)

    bufs = bufs_sems[0:GRP]
    gsems = bufs_sems[GRP:2 * GRP]
    wsems = bufs_sems[2 * GRP:3 * GRP]

    @pl.loop(0, CHUNKS // GRP)
    def _group(g):
        c0 = GRP * g
        pltpu.sync_copy(idx_h.at[pl.ds(rbase + c0 * SEQ, GRP * SEQ)],
                        idx_v)
        ghs = [issue(k, bufs[k], gsems[k]) for k in range(GRP)]
        whs = [consume(c0 + k, bufs[k], ghs[k], wsems[k])
               for k in range(GRP)]
        for wh in whs:
            wh.wait()


@jax.jit
def _run(x_flat, table, pe_seq):
    mesh = plsc.VectorSubcoreMesh(
        core_axis_name="c", subcore_axis_name="s", num_cores=NC,
        num_subcores=NS)
    grid_kernel = pl.kernel(
        _sc_body,
        out_type=jax.ShapeDtypeStruct((BATCH, SEQ, D), jnp.float32),
        mesh=mesh,
        scratch_types=(
            [pltpu.VMEM((GRP * SEQ,), jnp.int32),
             pltpu.VMEM((SEQ, D), jnp.float32)]
            + [pltpu.VMEM((SEQ, D), jnp.float32) for _ in range(GRP)]
            + [pltpu.SemaphoreType.DMA for _ in range(2 * GRP)]
        ),
        compiler_params=pltpu.CompilerParams(use_tc_tiling_on_sc=False),
    )
    return grid_kernel(x_flat, table, pe_seq)


def kernel(x, table, pe):
    x_flat = x.reshape(ROWS)
    return _run(x_flat, table, pe[:SEQ])

# --- scband reference (transcript-rebuilt; emitter-appended) ---
"""Pipeline reference for scband-position-embedding-56324201119903 (READ-ONLY COPY).

The authoritative reference and input builder live on the scoring server;
editing this copy changes nothing except your own understanding.
"""

import jax, jax.numpy as jnp
import numpy as np

VOCAB = 1000000
EMBED_DIM = 64
MAX_LEN = 1000
BATCH = 4096
SEQ = 200


def _make_pe(max_len, d_model):
    pos = np.arange(max_len, dtype=np.float64)
    j = np.arange(d_model, dtype=np.float64)
    fenmu = 10000.0 ** (j / d_model)
    arg = pos[:, None] / fenmu[None, :]
    pe = np.where((np.arange(d_model) % 2) == 0, np.sin(arg), np.cos(arg))
    return jnp.asarray(pe, dtype=jnp.float32)


def setup_inputs(seed: int = 0) -> dict:
    key = jax.random.key(seed)
    k1, k2 = jax.random.split(key)
    x = jax.random.randint(k1, (BATCH, SEQ), 0, VOCAB, dtype=jnp.int32)
    table = jax.random.normal(k2, (VOCAB, EMBED_DIM), dtype=jnp.float32) * 0.1
    pe = _make_pe(MAX_LEN, EMBED_DIM)
    return {"x": x, "table": table, "pe": pe}


def reference(x, table, pe):
    embed = jnp.take(table, x, axis=0)
    L = x.shape[1]
    return embed + pe[None, :L, :]

if __name__ == "__main__":
    import jax
    _d = setup_inputs()
    print(jax.jit(kernel)(*tuple(_d.values())))

</pallas_src>

<mosaic_0001>
#map = affine_map<(d0, d1) -> (0)>
#map1 = affine_map<(d0, d1) -> (0, 0)>
#map2 = affine_map<(d0, d1) -> (0, 0, 0)>
module attributes {stable_mosaic.version = 14 : i64} {
  func.func @_sc_body(%arg0: i32, %arg1: i32, %arg2: memref<819200xi32, #tpu.memory_space<hbm>>, %arg3: memref<1000000x64xf32, #tpu.memory_space<hbm>>, %arg4: memref<200x64xf32, #tpu.memory_space<hbm>>, %arg5: memref<4096x200x64xf32, #tpu.memory_space<hbm>>, %arg6: memref<1600xi32, #tpu.memory_space<vmem>>, %arg7: memref<200x64xf32, #tpu.memory_space<vmem>>, %arg8: memref<200x64xf32, #tpu.memory_space<vmem>>, %arg9: memref<200x64xf32, #tpu.memory_space<vmem>>, %arg10: memref<200x64xf32, #tpu.memory_space<vmem>>, %arg11: memref<200x64xf32, #tpu.memory_space<vmem>>, %arg12: memref<200x64xf32, #tpu.memory_space<vmem>>, %arg13: memref<200x64xf32, #tpu.memory_space<vmem>>, %arg14: memref<200x64xf32, #tpu.memory_space<vmem>>, %arg15: memref<200x64xf32, #tpu.memory_space<vmem>>, %arg16: memref<!tpu.dma_semaphore, #tpu.memory_space<semaphore_mem>>, %arg17: memref<!tpu.dma_semaphore, #tpu.memory_space<semaphore_mem>>, %arg18: memref<!tpu.dma_semaphore, #tpu.memory_space<semaphore_mem>>, %arg19: memref<!tpu.dma_semaphore, #tpu.memory_space<semaphore_mem>>, %arg20: memref<!tpu.dma_semaphore, #tpu.memory_space<semaphore_mem>>, %arg21: memref<!tpu.dma_semaphore, #tpu.memory_space<semaphore_mem>>, %arg22: memref<!tpu.dma_semaphore, #tpu.memory_space<semaphore_mem>>, %arg23: memref<!tpu.dma_semaphore, #tpu.memory_space<semaphore_mem>>, %arg24: memref<!tpu.dma_semaphore, #tpu.memory_space<semaphore_mem>>, %arg25: memref<!tpu.dma_semaphore, #tpu.memory_space<semaphore_mem>>, %arg26: memref<!tpu.dma_semaphore, #tpu.memory_space<semaphore_mem>>, %arg27: memref<!tpu.dma_semaphore, #tpu.memory_space<semaphore_mem>>, %arg28: memref<!tpu.dma_semaphore, #tpu.memory_space<semaphore_mem>>, %arg29: memref<!tpu.dma_semaphore, #tpu.memory_space<semaphore_mem>>, %arg30: memref<!tpu.dma_semaphore, #tpu.memory_space<semaphore_mem>>, %arg31: memref<!tpu.dma_semaphore, #tpu.memory_space<semaphore_mem>>) attributes {dimension_semantics = [#tpu.dimension_semantics<core_parallel>, #tpu.dimension_semantics<subcore_parallel>], iteration_bounds = array<i64: 2, 16>, scalar_prefetch = 0 : i64, scratch_operands = 26 : i64, tpu.core_type = #tpu.core_type<sc_vector_subcore>, window_params = [{transform_indices = #map}, {transform_indices = #map1}, {transform_indices = #map1}, {transform_indices = #map2}]} {
    %mul3A = arith.constant 2 : i32
    %mul3A_0 = arith.muli %arg1, %mul3A : i32
    %add3A = arith.addi %mul3A_0, %arg0 : i32
    %mul3A_1 = arith.constant 25600 : i32
    %mul3A_2 = arith.muli %add3A, %mul3A_1 : i32
    %mul3A_3 = arith.constant 128 : i32
    %mul3A_4 = arith.muli %add3A, %mul3A_3 : i32
    "tpu.region"() ({
      %run_scoped3A = tpu.sem_alloc : memref<!tpu.dma_semaphore, #tpu.memory_space<semaphore_mem>>
      tpu.enqueue_dma source(%arg4 : memref<200x64xf32, #tpu.memory_space<hbm>>) target(%arg7 : memref<200x64xf32, #tpu.memory_space<vmem>>) target_semaphore(%run_scoped3A : memref<!tpu.dma_semaphore, #tpu.memory_space<semaphore_mem>>)
      tpu.wait_dma2 semaphore(%run_scoped3A : memref<!tpu.dma_semaphore, #tpu.memory_space<semaphore_mem>>) src(%arg4 : memref<200x64xf32, #tpu.memory_space<hbm>>) dst(%arg7 : memref<200x64xf32, #tpu.memory_space<vmem>>)
      tpu.yield
    }) : () -> ()
    %scan3A = arith.constant 0 : i32
    %scan3A_5 = arith.constant 16 : i32
    %scan3A_6 = arith.addi %scan3A, %scan3A_5 : i32
    %scan3A_7 = arith.constant 1 : i32
    scf.for %scan3A_9 = %scan3A to %scan3A_6 step %scan3A_7  : i32 {
      %mul3A_10 = arith.constant 1 : i32
      %mul3A_11 = arith.muli %scan3A_9, %mul3A_10 : i32
      %add3A_12 = arith.constant 0 : i32
      %add3A_13 = arith.addi %add3A_12, %mul3A_11 : i32
      %mul3A_14 = arith.constant 8 : i32
      %mul3A_15 = arith.muli %mul3A_14, %add3A_13 : i32
      %mul3A_16 = arith.constant 200 : i32
      %mul3A_17 = arith.muli %mul3A_15, %mul3A_16 : i32
      %add3A_18 = arith.addi %mul3A_2, %mul3A_17 : i32
      "tpu.region"() ({
        %run_scoped3A = tpu.sem_alloc : memref<!tpu.dma_semaphore, #tpu.memory_space<semaphore_mem>>
        %dma_start3A_465 = tpu.memref_slice %arg2[%add3A_18] : memref<819200xi32, #tpu.memory_space<hbm>> -> memref<1600xi32, #tpu.memory_space<hbm>>
        %dma_start3A_466 = tpu.memref_slice %arg2[%add3A_18] : memref<819200xi32, #tpu.memory_space<hbm>> -> memref<1600xi32, #tpu.memory_space<hbm>>
        tpu.enqueue_dma source(%dma_start3A_466 : memref<1600xi32, #tpu.memory_space<hbm>>) target(%arg6 : memref<1600xi32, #tpu.memory_space<vmem>>) target_semaphore(%run_scoped3A : memref<!tpu.dma_semaphore, #tpu.memory_space<semaphore_mem>>)
        %dma_wait3A_467 = tpu.memref_slice %arg2[%add3A_18] : memref<819200xi32, #tpu.memory_space<hbm>> -> memref<1600xi32, #tpu.memory_space<hbm>>
        %dma_wait3A_468 = tpu.memref_slice %arg2[%add3A_18] : memref<819200xi32, #tpu.memory_space<hbm>> -> memref<1600xi32, #tpu.memory_space<hbm>>
        tpu.wait_dma2 semaphore(%run_scoped3A : memref<!tpu.dma_semaphore, #tpu.memory_space<semaphore_mem>>) src(%dma_wait3A_468 : memref<1600xi32, #tpu.memory_space<hbm>>) dst(%arg6 : memref<1600xi32, #tpu.memory_space<vmem>>)
        tpu.yield
      }) : () -> ()
      %dma_start3A = arith.constant 0 : i32
      %dma_start3A_19 = arith.constant 0 : i32
      %dma_start3A_20 = tpu.memref_slice %arg8[%dma_start3A, %dma_start3A_19] : memref<200x64xf32, #tpu.memory_space<vmem>> -> memref<104x64xf32, #tpu.memory_space<vmem>>
      %dma_start3A_21 = arith.constant 0 : i32
      %dma_start3A_22 = tpu.memref_slice %arg6[%dma_start3A_21] : memref<1600xi32, #tpu.memory_space<vmem>> -> memref<104xi32, #tpu.memory_space<vmem>>
      %dma_start3A_23 = arith.constant 0 : i32
      %dma_start3A_24 = arith.constant 0 : i32
      %dma_start3A_25 = tpu.memref_slice %arg3[%dma_start3A_23, %dma_start3A_24] : memref<1000000x64xf32, #tpu.memory_space<hbm>> -> memref<1000000x64xf32, #tpu.memory_space<hbm>>
      tpu.enqueue_indirect_dma source(%dma_start3A_25 : memref<1000000x64xf32, #tpu.memory_space<hbm>>) target(%dma_start3A_20 : memref<104x64xf32, #tpu.memory_space<vmem>>) offsets(%dma_start3A_22 : memref<104xi32, #tpu.memory_space<vmem>>) semaphore(%arg16 : memref<!tpu.dma_semaphore, #tpu.memory_space<semaphore_mem>>)
      %dma_start3A_26 = arith.constant 104 : i32
      %dma_start3A_27 = arith.constant 0 : i32
      %dma_start3A_28 = tpu.memref_slice %arg8[%dma_start3A_26, %dma_start3A_27] : memref<200x64xf32, #tpu.memory_space<vmem>> -> memref<96x64xf32, #tpu.memory_space<vmem>>
      %dma_start3A_29 = arith.constant 104 : i32
      %dma_start3A_30 = tpu.memref_slice %arg6[%dma_start3A_29] : memref<1600xi32, #tpu.memory_space<vmem>> -> memref<96xi32, #tpu.memory_space<vmem>>
      %dma_start3A_31 = arith.constant 0 : i32
      %dma_start3A_32 = arith.constant 0 : i32
      %dma_start3A_33 = tpu.memref_slice %arg3[%dma_start3A_31, %dma_start3A_32] : memref<1000000x64xf32, #tpu.memory_space<hbm>> -> memref<1000000x64xf32, #tpu.memory_space<hbm>>
      tpu.enqueue_indirect_dma source(%dma_start3A_33 : memref<1000000x64xf32, #tpu.memory_space<hbm>>) target(%dma_start3A_28 : memref<96x64xf32, #tpu.memory_space<vmem>>) offsets(%dma_start3A_30 : memref<96xi32, #tpu.memory_space<vmem>>) semaphore(%arg16 : memref<!tpu.dma_semaphore, #tpu.memory_space<semaphore_mem>>)
      %dma_start3A_34 = arith.constant 0 : i32
      %dma_start3A_35 = arith.constant 0 : i32
      %dma_start3A_36 = tpu.memref_slice %arg9[%dma_start3A_34, %dma_start3A_35] : memref<200x64xf32, #tpu.memory_space<vmem>> -> memref<104x64xf32, #tpu.memory_space<vmem>>
      %dma_start3A_37 = arith.constant 200 : i32
      %dma_start3A_38 = tpu.memref_slice %arg6[%dma_start3A_37] : memref<1600xi32, #tpu.memory_space<vmem>> -> memref<104xi32, #tpu.memory_space<vmem>>
      %dma_start3A_39 = arith.constant 0 : i32
      %dma_start3A_40 = arith.constant 0 : i32
      %dma_start3A_41 = tpu.memref_slice %arg3[%dma_start3A_39, %dma_start3A_40] : memref<1000000x64xf32, #tpu.memory_space<hbm>> -> memref<1000000x64xf32, #tpu.memory_space<hbm>>
      tpu.enqueue_indirect_dma source(%dma_start3A_41 : memref<1000000x64xf32, #tpu.memory_space<hbm>>) target(%dma_start3A_36 : memref<104x64xf32, #tpu.memory_space<vmem>>) offsets(%dma_start3A_38 : memref<104xi32, #tpu.memory_space<vmem>>) semaphore(%arg17 : memref<!tpu.dma_semaphore, #tpu.memory_space<semaphore_mem>>)
      %dma_start3A_42 = arith.constant 104 : i32
      %dma_start3A_43 = arith.constant 0 : i32
      %dma_start3A_44 = tpu.memref_slice %arg9[%dma_start3A_42, %dma_start3A_43] : memref<200x64xf32, #tpu.memory_space<vmem>> -> memref<96x64xf32, #tpu.memory_space<vmem>>
      %dma_start3A_45 = arith.constant 304 : i32
      %dma_start3A_46 = tpu.memref_slice %arg6[%dma_start3A_45] : memref<1600xi32, #tpu.memory_space<vmem>> -> memref<96xi32, #tpu.memory_space<vmem>>
      %dma_start3A_47 = arith.constant 0 : i32
      %dma_start3A_48 = arith.constant 0 : i32
      %dma_start3A_49 = tpu.memref_slice %arg3[%dma_start3A_47, %dma_start3A_48] : memref<1000000x64xf32, #tpu.memory_space<hbm>> -> memref<1000000x64xf32, #tpu.memory_space<hbm>>
      tpu.enqueue_indirect_dma source(%dma_start3A_49 : memref<1000000x64xf32, #tpu.memory_space<hbm>>) target(%dma_start3A_44 : memref<96x64xf32, #tpu.memory_space<vmem>>) offsets(%dma_start3A_46 : memref<96xi32, #tpu.memory_space<vmem>>) semaphore(%arg17 : memref<!tpu.dma_semaphore, #tpu.memory_space<semaphore_mem>>)
      %dma_start3A_50 = arith.constant 0 : i32
      %dma_start3A_51 = arith.constant 0 : i32
      %dma_start3A_52 = tpu.memref_slice %arg10[%dma_start3A_50, %dma_start3A_51] : memref<200x64xf32, #tpu.memory_space<vmem>> -> memref<104x64xf32, #tpu.memory_space<vmem>>
      %dma_start3A_53 = arith.constant 400 : i32
      %dma_start3A_54 = tpu.memref_slice %arg6[%dma_start3A_53] : memref<1600xi32, #tpu.memory_space<vmem>> -> memref<104xi32, #tpu.memory_space<vmem>>
      %dma_start3A_55 = arith.constant 0 : i32
      %dma_start3A_56 = arith.constant 0 : i32
      %dma_start3A_57 = tpu.memref_slice %arg3[%dma_start3A_55, %dma_start3A_56] : memref<1000000x64xf32, #tpu.memory_space<hbm>> -> memref<1000000x64xf32, #tpu.memory_space<hbm>>
      tpu.enqueue_indirect_dma source(%dma_start3A_57 : memref<1000000x64xf32, #tpu.memory_space<hbm>>) target(%dma_start3A_52 : memref<104x64xf32, #tpu.memory_space<vmem>>) offsets(%dma_start3A_54 : memref<104xi32, #tpu.memory_space<vmem>>) semaphore(%arg18 : memref<!tpu.dma_semaphore, #tpu.memory_space<semaphore_mem>>)
      %dma_start3A_58 = arith.constant 104 : i32
      %dma_start3A_59 = arith.constant 0 : i32
      %dma_start3A_60 = tpu.memref_slice %arg10[%dma_start3A_58, %dma_start3A_59] : memref<200x64xf32, #tpu.memory_space<vmem>> -> memref<96x64xf32, #tpu.memory_space<vmem>>
      %dma_start3A_61 = arith.constant 504 : i32
      %dma_start3A_62 = tpu.memref_slice %arg6[%dma_start3A_61] : memref<1600xi32, #tpu.memory_space<vmem>> -> memref<96xi32, #tpu.memory_space<vmem>>
      %dma_start3A_63 = arith.constant 0 : i32
      %dma_start3A_64 = arith.constant 0 : i32
      %dma_start3A_65 = tpu.memref_slice %arg3[%dma_start3A_63, %dma_start3A_64] : memref<1000000x64xf32, #tpu.memory_space<hbm>> -> memref<1000000x64xf32, #tpu.memory_space<hbm>>
      tpu.enqueue_indirect_dma source(%dma_start3A_65 : memref<1000000x64xf32, #tpu.memory_space<hbm>>) target(%dma_start3A_60 : memref<96x64xf32, #tpu.memory_space<vmem>>) offsets(%dma_start3A_62 : memref<96xi32, #tpu.memory_space<vmem>>) semaphore(%arg18 : memref<!tpu.dma_semaphore, #tpu.memory_space<semaphore_mem>>)
      %dma_start3A_66 = arith.constant 0 : i32
      %dma_start3A_67 = arith.constant 0 : i32
      %dma_start3A_68 = tpu.memref_slice %arg11[%dma_start3A_66, %dma_start3A_67] : memref<200x64xf32, #tpu.memory_space<vmem>> -> memref<104x64xf32, #tpu.memory_space<vmem>>
      %dma_start3A_69 = arith.constant 600 : i32
      %dma_start3A_70 = tpu.memref_slice %arg6[%dma_start3A_69] : memref<1600xi32, #tpu.memory_space<vmem>> -> memref<104xi32, #tpu.memory_space<vmem>>
      %dma_start3A_71 = arith.constant 0 : i32
      %dma_start3A_72 = arith.constant 0 : i32
      %dma_start3A_73 = tpu.memref_slice %arg3[%dma_start3A_71, %dma_start3A_72] : memref<1000000x64xf32, #tpu.memory_space<hbm>> -> memref<1000000x64xf32, #tpu.memory_space<hbm>>
      tpu.enqueue_indirect_dma source(%dma_start3A_73 : memref<1000000x64xf32, #tpu.memory_space<hbm>>) target(%dma_start3A_68 : memref<104x64xf32, #tpu.memory_space<vmem>>) offsets(%dma_start3A_70 : memref<104xi32, #tpu.memory_space<vmem>>) semaphore(%arg19 : memref<!tpu.dma_semaphore, #tpu.memory_space<semaphore_mem>>)
      %dma_start3A_74 = arith.constant 104 : i32
      %dma_start3A_75 = arith.constant 0 : i32
      %dma_start3A_76 = tpu.memref_slice %arg11[%dma_start3A_74, %dma_start3A_75] : memref<200x64xf32, #tpu.memory_space<vmem>> -> memref<96x64xf32, #tpu.memory_space<vmem>>
      %dma_start3A_77 = arith.constant 704 : i32
      %dma_start3A_78 = tpu.memref_slice %arg6[%dma_start3A_77] : memref<1600xi32, #tpu.memory_space<vmem>> -> memref<96xi32, #tpu.memory_space<vmem>>
      %dma_start3A_79 = arith.constant 0 : i32
      %dma_start3A_80 = arith.constant 0 : i32
      %dma_start3A_81 = tpu.memref_slice %arg3[%dma_start3A_79, %dma_start3A_80] : memref<1000000x64xf32, #tpu.memory_space<hbm>> -> memref<1000000x64xf32, #tpu.memory_space<hbm>>
      tpu.enqueue_indirect_dma source(%dma_start3A_81 : memref<1000000x64xf32, #tpu.memory_space<hbm>>) target(%dma_start3A_76 : memref<96x64xf32, #tpu.memory_space<vmem>>) offsets(%dma_start3A_78 : memref<96xi32, #tpu.memory_space<vmem>>) semaphore(%arg19 : memref<!tpu.dma_semaphore, #tpu.memory_space<semaphore_mem>>)
      %dma_start3A_82 = arith.constant 0 : i32
      %dma_start3A_83 = arith.constant 0 : i32
      %dma_start3A_84 = tpu.memref_slice %arg12[%dma_start3A_82, %dma_start3A_83] : memref<200x64xf32, #tpu.memory_space<vmem>> -> memref<104x64xf32, #tpu.memory_space<vmem>>
      %dma_start3A_85 = arith.constant 800 : i32
      %dma_start3A_86 = tpu.memref_slice %arg6[%dma_start3A_85] : memref<1600xi32, #tpu.memory_space<vmem>> -> memref<104xi32, #tpu.memory_space<vmem>>
      %dma_start3A_87 = arith.constant 0 : i32
      %dma_start3A_88 = arith.constant 0 : i32
      %dma_start3A_89 = tpu.memref_slice %arg3[%dma_start3A_87, %dma_start3A_88] : memref<1000000x64xf32, #tpu.memory_space<hbm>> -> memref<1000000x64xf32, #tpu.memory_space<hbm>>
      tpu.enqueue_indirect_dma source(%dma_start3A_89 : memref<1000000x64xf32, #tpu.memory_space<hbm>>) target(%dma_start3A_84 : memref<104x64xf32, #tpu.memory_space<vmem>>) offsets(%dma_start3A_86 : memref<104xi32, #tpu.memory_space<vmem>>) semaphore(%arg20 : memref<!tpu.dma_semaphore, #tpu.memory_space<semaphore_mem>>)
      %dma_start3A_90 = arith.constant 104 : i32
      %dma_start3A_91 = arith.constant 0 : i32
      %dma_start3A_92 = tpu.memref_slice %arg12[%dma_start3A_90, %dma_start3A_91] : memref<200x64xf32, #tpu.memory_space<vmem>> -> memref<96x64xf32, #tpu.memory_space<vmem>>
      %dma_start3A_93 = arith.constant 904 : i32
      %dma_start3A_94 = tpu.memref_slice %arg6[%dma_start3A_93] : memref<1600xi32, #tpu.memory_space<vmem>> -> memref<96xi32, #tpu.memory_space<vmem>>
      %dma_start3A_95 = arith.constant 0 : i32
      %dma_start3A_96 = arith.constant 0 : i32
      %dma_start3A_97 = tpu.memref_slice %arg3[%dma_start3A_95, %dma_start3A_96] : memref<1000000x64xf32, #tpu.memory_space<hbm>> -> memref<1000000x64xf32, #tpu.memory_space<hbm>>
      tpu.enqueue_indirect_dma source(%dma_start3A_97 : memref<1000000x64xf32, #tpu.memory_space<hbm>>) target(%dma_start3A_92 : memref<96x64xf32, #tpu.memory_space<vmem>>) offsets(%dma_start3A_94 : memref<96xi32, #tpu.memory_space<vmem>>) semaphore(%arg20 : memref<!tpu.dma_semaphore, #tpu.memory_space<semaphore_mem>>)
      %dma_start3A_98 = arith.constant 0 : i32
      %dma_start3A_99 = arith.constant 0 : i32
      %dma_start3A_100 = tpu.memref_slice %arg13[%dma_start3A_98, %dma_start3A_99] : memref<200x64xf32, #tpu.memory_space<vmem>> -> memref<104x64xf32, #tpu.memory_space<vmem>>
      %dma_start3A_101 = arith.constant 1000 : i32
      %dma_start3A_102 = tpu.memref_slice %arg6[%dma_start3A_101] : memref<1600xi32, #tpu.memory_space<vmem>> -> memref<104xi32, #tpu.memory_space<vmem>>
      %dma_start3A_103 = arith.constant 0 : i32
      %dma_start3A_104 = arith.constant 0 : i32
      %dma_start3A_105 = tpu.memref_slice %arg3[%dma_start3A_103, %dma_start3A_104] : memref<1000000x64xf32, #tpu.memory_space<hbm>> -> memref<1000000x64xf32, #tpu.memory_space<hbm>>
      tpu.enqueue_indirect_dma source(%dma_start3A_105 : memref<1000000x64xf32, #tpu.memory_space<hbm>>) target(%dma_start3A_100 : memref<104x64xf32, #tpu.memory_space<vmem>>) offsets(%dma_start3A_102 : memref<104xi32, #tpu.memory_space<vmem>>) semaphore(%arg21 : memref<!tpu.dma_semaphore, #tpu.memory_space<semaphore_mem>>)
      %dma_start3A_106 = arith.constant 104 : i32
      %dma_start3A_107 = arith.constant 0 : i32
      %dma_start3A_108 = tpu.memref_slice %arg13[%dma_start3A_106, %dma_start3A_107] : memref<200x64xf32, #tpu.memory_space<vmem>> -> memref<96x64xf32, #tpu.memory_space<vmem>>
      %dma_start3A_109 = arith.constant 1104 : i32
      %dma_start3A_110 = tpu.memref_slice %arg6[%dma_start3A_109] : memref<1600xi32, #tpu.memory_space<vmem>> -> memref<96xi32, #tpu.memory_space<vmem>>
      %dma_start3A_111 = arith.constant 0 : i32
      %dma_start3A_112 = arith.constant 0 : i32
      %dma_start3A_113 = tpu.memref_slice %arg3[%dma_start3A_111, %dma_start3A_112] : memref<1000000x64xf32, #tpu.memory_space<hbm>> -> memref<1000000x64xf32, #tpu.memory_space<hbm>>
      tpu.enqueue_indirect_dma source(%dma_start3A_113 : memref<1000000x64xf32, #tpu.memory_space<hbm>>) target(%dma_start3A_108 : memref<96x64xf32, #tpu.memory_space<vmem>>) offsets(%dma_start3A_110 : memref<96xi32, #tpu.memory_space<vmem>>) semaphore(%arg21 : memref<!tpu.dma_semaphore, #tpu.memory_space<semaphore_mem>>)
      %dma_start3A_114 = arith.constant 0 : i32
      %dma_start3A_115 = arith.constant 0 : i32
      %dma_start3A_116 = tpu.memref_slice %arg14[%dma_start3A_114, %dma_start3A_115] : memref<200x64xf32, #tpu.memory_space<vmem>> -> memref<104x64xf32, #tpu.memory_space<vmem>>
      %dma_start3A_117 = arith.constant 1200 : i32
      %dma_start3A_118 = tpu.memref_slice %arg6[%dma_start3A_117] : memref<1600xi32, #tpu.memory_space<vmem>> -> memref<104xi32, #tpu.memory_space<vmem>>
      %dma_start3A_119 = arith.constant 0 : i32
      %dma_start3A_120 = arith.constant 0 : i32
      %dma_start3A_121 = tpu.memref_slice %arg3[%dma_start3A_119, %dma_start3A_120] : memref<1000000x64xf32, #tpu.memory_space<hbm>> -> memref<1000000x64xf32, #tpu.memory_space<hbm>>
      tpu.enqueue_indirect_dma source(%dma_start3A_121 : memref<1000000x64xf32, #tpu.memory_space<hbm>>) target(%dma_start3A_116 : memref<104x64xf32, #tpu.memory_space<vmem>>) offsets(%dma_start3A_118 : memref<104xi32, #tpu.memory_space<vmem>>) semaphore(%arg22 : memref<!tpu.dma_semaphore, #tpu.memory_space<semaphore_mem>>)
      %dma_start3A_122 = arith.constant 104 : i32
      %dma_start3A_123 = arith.constant 0 : i32
      %dma_start3A_124 = tpu.memref_slice %arg14[%dma_start3A_122, %dma_start3A_123] : memref<200x64xf32, #tpu.memory_space<vmem>> -> memref<96x64xf32, #tpu.memory_space<vmem>>
      %dma_start3A_125 = arith.constant 1304 : i32
      %dma_start3A_126 = tpu.memref_slice %arg6[%dma_start3A_125] : memref<1600xi32, #tpu.memory_space<vmem>> -> memref<96xi32, #tpu.memory_space<vmem>>
      %dma_start3A_127 = arith.constant 0 : i32
      %dma_start3A_128 = arith.constant 0 : i32
      %dma_start3A_129 = tpu.memref_slice %arg3[%dma_start3A_127, %dma_start3A_128] : memref<1000000x64xf32, #tpu.memory_space<hbm>> -> memref<1000000x64xf32, #tpu.memory_space<hbm>>
      tpu.enqueue_indirect_dma source(%dma_start3A_129 : memref<1000000x64xf32, #tpu.memory_space<hbm>>) target(%dma_start3A_124 : memref<96x64xf32, #tpu.memory_space<vmem>>) offsets(%dma_start3A_126 : memref<96xi32, #tpu.memory_space<vmem>>) semaphore(%arg22 : memref<!tpu.dma_semaphore, #tpu.memory_space<semaphore_mem>>)
      %dma_start3A_130 = arith.constant 0 : i32
      %dma_start3A_131 = arith.constant 0 : i32
      %dma_start3A_132 = tpu.memref_slice %arg15[%dma_start3A_130, %dma_start3A_131] : memref<200x64xf32, #tpu.memory_space<vmem>> -> memref<104x64xf32, #tpu.memory_space<vmem>>
      %dma_start3A_133 = arith.constant 1400 : i32
      %dma_start3A_134 = tpu.memref_slice %arg6[%dma_start3A_133] : memref<1600xi32, #tpu.memory_space<vmem>> -> memref<104xi32, #tpu.memory_space<vmem>>
      %dma_start3A_135 = arith.constant 0 : i32
      %dma_start3A_136 = arith.constant 0 : i32
      %dma_start3A_137 = tpu.memref_slice %arg3[%dma_start3A_135, %dma_start3A_136] : memref<1000000x64xf32, #tpu.memory_space<hbm>> -> memref<1000000x64xf32, #tpu.memory_space<hbm>>
      tpu.enqueue_indirect_dma source(%dma_start3A_137 : memref<1000000x64xf32, #tpu.memory_space<hbm>>) target(%dma_start3A_132 : memref<104x64xf32, #tpu.memory_space<vmem>>) offsets(%dma_start3A_134 : memref<104xi32, #tpu.memory_space<vmem>>) semaphore(%arg23 : memref<!tpu.dma_semaphore, #tpu.memory_space<semaphore_mem>>)
      %dma_start3A_138 = arith.constant 104 : i32
      %dma_start3A_139 = arith.constant 0 : i32
      %dma_start3A_140 = tpu.memref_slice %arg15[%dma_start3A_138, %dma_start3A_139] : memref<200x64xf32, #tpu.memory_space<vmem>> -> memref<96x64xf32, #tpu.memory_space<vmem>>
      %dma_start3A_141 = arith.constant 1504 : i32
      %dma_start3A_142 = tpu.memref_slice %arg6[%dma_start3A_141] : memref<1600xi32, #tpu.memory_space<vmem>> -> memref<96xi32, #tpu.memory_space<vmem>>
      %dma_start3A_143 = arith.constant 0 : i32
      %dma_start3A_144 = arith.constant 0 : i32
      %dma_start3A_145 = tpu.memref_slice %arg3[%dma_start3A_143, %dma_start3A_144] : memref<1000000x64xf32, #tpu.memory_space<hbm>> -> memref<1000000x64xf32, #tpu.memory_space<hbm>>
      tpu.enqueue_indirect_dma source(%dma_start3A_145 : memref<1000000x64xf32, #tpu.memory_space<hbm>>) target(%dma_start3A_140 : memref<96x64xf32, #tpu.memory_space<vmem>>) offsets(%dma_start3A_142 : memref<96xi32, #tpu.memory_space<vmem>>) semaphore(%arg23 : memref<!tpu.dma_semaphore, #tpu.memory_space<semaphore_mem>>)
      %add3A_146 = arith.constant 0 : i32
      %add3A_147 = arith.addi %mul3A_15, %add3A_146 : i32
      %dma_wait3A = arith.constant 0 : i32
      %dma_wait3A_148 = arith.constant 0 : i32
      %dma_wait3A_149 = tpu.memref_slice %arg8[%dma_wait3A, %dma_wait3A_148] : memref<200x64xf32, #tpu.memory_space<vmem>> -> memref<104x64xf32, #tpu.memory_space<vmem>>
      %dma_wait3A_150 = arith.constant 0 : i32
      %dma_wait3A_151 = tpu.memref_slice %arg6[%dma_wait3A_150] : memref<1600xi32, #tpu.memory_space<vmem>> -> memref<104xi32, #tpu.memory_space<vmem>>
      %dma_wait3A_152 = arith.constant 0 : i32
      %dma_wait3A_153 = arith.constant 0 : i32
      %dma_wait3A_154 = tpu.memref_slice %arg3[%dma_wait3A_152, %dma_wait3A_153] : memref<1000000x64xf32, #tpu.memory_space<hbm>> -> memref<1000000x64xf32, #tpu.memory_space<hbm>>
      tpu.wait_indirect_dma semaphore(%arg16 : memref<!tpu.dma_semaphore, #tpu.memory_space<semaphore_mem>>) src(%dma_wait3A_154 : memref<1000000x64xf32, #tpu.memory_space<hbm>>) dst(%dma_wait3A_149 : memref<104x64xf32, #tpu.memory_space<vmem>>)
      %dma_wait3A_155 = arith.constant 104 : i32
      %dma_wait3A_156 = arith.constant 0 : i32
      %dma_wait3A_157 = tpu.memref_slice %arg8[%dma_wait3A_155, %dma_wait3A_156] : memref<200x64xf32, #tpu.memory_space<vmem>> -> memref<96x64xf32, #tpu.memory_space<vmem>>
      %dma_wait3A_158 = arith.constant 104 : i32
      %dma_wait3A_159 = tpu.memref_slice %arg6[%dma_wait3A_158] : memref<1600xi32, #tpu.memory_space<vmem>> -> memref<96xi32, #tpu.memory_space<vmem>>
      %dma_wait3A_160 = arith.constant 0 : i32
      %dma_wait3A_161 = arith.constant 0 : i32
      %dma_wait3A_162 = tpu.memref_slice %arg3[%dma_wait3A_160, %dma_wait3A_161] : memref<1000000x64xf32, #tpu.memory_space<hbm>> -> memref<1000000x64xf32, #tpu.memory_space<hbm>>
      tpu.wait_indirect_dma semaphore(%arg16 : memref<!tpu.dma_semaphore, #tpu.memory_space<semaphore_mem>>) src(%dma_wait3A_162 : memref<1000000x64xf32, #tpu.memory_space<hbm>>) dst(%dma_wait3A_157 : memref<96x64xf32, #tpu.memory_space<vmem>>)
      %scan3A_163 = arith.constant 0 : i32
      %scan3A_164 = arith.constant 200 : i32
      %scan3A_165 = arith.addi %scan3A_163, %scan3A_164 : i32
      %scan3A_166 = arith.constant 1 : i32
      scf.for %scan3A_465 = %scan3A_163 to %scan3A_165 step %scan3A_166  : i32 {
        %mul3A_466 = arith.constant 1 : i32
        %mul3A_467 = arith.muli %scan3A_465, %mul3A_466 : i32
        %add3A_468 = arith.constant 0 : i32
        %add3A_469 = arith.addi %add3A_468, %mul3A_467 : i32
        %get3A = arith.index_cast %add3A_469 : i32 to index
        %get3A_470 = arith.constant 0 : index
        %get3A_471 = tpu.vector_load %arg8[%get3A, %get3A_470] {strides = array<i32>} : memref<200x64xf32, #tpu.memory_space<vmem>>, vector<1x16xf32>,
        %get3A_472 = vector.shape_cast %get3A_471 : vector<1x16xf32> to vector<16xf32>
        %get3A_473 = arith.index_cast %add3A_469 : i32 to index
        %get3A_474 = arith.constant 0 : index
        %get3A_475 = tpu.vector_load %arg7[%get3A_473, %get3A_474] {strides = array<i32>} : memref<200x64xf32, #tpu.memory_space<vmem>>, vector<1x16xf32>,
        %get3A_476 = vector.shape_cast %get3A_475 : vector<1x16xf32> to vector<16xf32>
        %add3A_477 = arith.addf %get3A_472, %get3A_476 : vector<16xf32>
        %swap3A = arith.index_cast %add3A_469 : i32 to index
        %swap3A_478 = arith.constant 0 : index
        %swap3A_479 = tpu.vector_load %arg8[%swap3A, %swap3A_478] {strides = array<i32>} : memref<200x64xf32, #tpu.memory_space<vmem>>, vector<1x16xf32>,
        %swap3A_480 = vector.shape_cast %swap3A_479 : vector<1x16xf32> to vector<16xf32>
        %swap3A_481 = vector.shape_cast %add3A_477 : vector<16xf32> to vector<1x16xf32>
        tpu.vector_store %arg8[%swap3A, %swap3A_478], %swap3A_481 {strides = array<i32>} : memref<200x64xf32, #tpu.memory_space<vmem>>, vector<1x16xf32>,
        %get3A_482 = arith.index_cast %add3A_469 : i32 to index
        %get3A_483 = arith.constant 16 : index
        %get3A_484 = tpu.vector_load %arg8[%get3A_482, %get3A_483] {strides = array<i32>} : memref<200x64xf32, #tpu.memory_space<vmem>>, vector<1x16xf32>,
        %get3A_485 = vector.shape_cast %get3A_484 : vector<1x16xf32> to vector<16xf32>
        %get3A_486 = arith.index_cast %add3A_469 : i32 to index
        %get3A_487 = arith.constant 16 : index
        %get3A_488 = tpu.vector_load %arg7[%get3A_486, %get3A_487] {strides = array<i32>} : memref<200x64xf32, #tpu.memory_space<vmem>>, vector<1x16xf32>,
        %get3A_489 = vector.shape_cast %get3A_488 : vector<1x16xf32> to vector<16xf32>
        %add3A_490 = arith.addf %get3A_485, %get3A_489 : vector<16xf32>
        %swap3A_491 = arith.index_cast %add3A_469 : i32 to index
        %swap3A_492 = arith.constant 16 : index
        %swap3A_493 = tpu.vector_load %arg8[%swap3A_491, %swap3A_492] {strides = array<i32>} : memref<200x64xf32, #tpu.memory_space<vmem>>, vector<1x16xf32>,
        %swap3A_494 = vector.shape_cast %swap3A_493 : vector<1x16xf32> to vector<16xf32>
        %swap3A_495 = vector.shape_cast %add3A_490 : vector<16xf32> to vector<1x16xf32>
        tpu.vector_store %arg8[%swap3A_491, %swap3A_492], %swap3A_495 {strides = array<i32>} : memref<200x64xf32, #tpu.memory_space<vmem>>, vector<1x16xf32>,
        %get3A_496 = arith.index_cast %add3A_469 : i32 to index
        %get3A_497 = arith.constant 32 : index
        %get3A_498 = tpu.vector_load %arg8[%get3A_496, %get3A_497] {strides = array<i32>} : memref<200x64xf32, #tpu.memory_space<vmem>>, vector<1x16xf32>,
        %get3A_499 = vector.shape_cast %get3A_498 : vector<1x16xf32> to vector<16xf32>
        %get3A_500 = arith.index_cast %add3A_469 : i32 to index
        %get3A_501 = arith.constant 32 : index
        %get3A_502 = tpu.vector_load %arg7[%get3A_500, %get3A_501] {strides = array<i32>} : memref<200x64xf32, #tpu.memory_space<vmem>>, vector<1x16xf32>,
        %get3A_503 = vector.shape_cast %get3A_502 : vector<1x16xf32> to vector<16xf32>
        %add3A_504 = arith.addf %get3A_499, %get3A_503 : vector<16xf32>
        %swap3A_505 = arith.index_cast %add3A_469 : i32 to index
        %swap3A_506 = arith.constant 32 : index
        %swap3A_507 = tpu.vector_load %arg8[%swap3A_505, %swap3A_506] {strides = array<i32>} : memref<200x64xf32, #tpu.memory_space<vmem>>, vector<1x16xf32>,
        %swap3A_508 = vector.shape_cast %swap3A_507 : vector<1x16xf32> to vector<16xf32>
        %swap3A_509 = vector.shape_cast %add3A_504 : vector<16xf32> to vector<1x16xf32>
        tpu.vector_store %arg8[%swap3A_505, %swap3A_506], %swap3A_509 {strides = array<i32>} : memref<200x64xf32, #tpu.memory_space<vmem>>, vector<1x16xf32>,
        %get3A_510 = arith.index_cast %add3A_469 : i32 to index
        %get3A_511 = arith.constant 48 : index
        %get3A_512 = tpu.vector_load %arg8[%get3A_510, %get3A_511] {strides = array<i32>} : memref<200x64xf32, #tpu.memory_space<vmem>>, vector<1x16xf32>,
        %get3A_513 = vector.shape_cast %get3A_512 : vector<1x16xf32> to vector<16xf32>
        %get3A_514 = arith.index_cast %add3A_469 : i32 to index
        %get3A_515 = arith.constant 48 : index
        %get3A_516 = tpu.vector_load %arg7[%get3A_514, %get3A_515] {strides = array<i32>} : memref<200x64xf32, #tpu.memory_space<vmem>>, vector<1x16xf32>,
        %get3A_517 = vector.shape_cast %get3A_516 : vector<1x16xf32> to vector<16xf32>
        %add3A_518 = arith.addf %get3A_513, %get3A_517 : vector<16xf32>
        %swap3A_519 = arith.index_cast %add3A_469 : i32 to index
        %swap3A_520 = arith.constant 48 : index
        %swap3A_521 = tpu.vector_load %arg8[%swap3A_519, %swap3A_520] {strides = array<i32>} : memref<200x64xf32, #tpu.memory_space<vmem>>, vector<1x16xf32>,
        %swap3A_522 = vector.shape_cast %swap3A_521 : vector<1x16xf32> to vector<16xf32>
        %swap3A_523 = vector.shape_cast %add3A_518 : vector<16xf32> to vector<1x16xf32>
        tpu.vector_store %arg8[%swap3A_519, %swap3A_520], %swap3A_523 {strides = array<i32>} : memref<200x64xf32, #tpu.memory_space<vmem>>, vector<1x16xf32>,
      }
      %scan3A_167 = arith.constant 200 : i32
      %add3A_168 = arith.addi %mul3A_4, %add3A_147 : i32
      %dma_start3A_169 = arith.constant 0 : i32
      %dma_start3A_170 = arith.constant 0 : i32
      %dma_start3A_171 = tpu.memref_slice %arg5[%add3A_168, %dma_start3A_169, %dma_start3A_170] : memref<4096x200x64xf32, #tpu.memory_space<hbm>> -> memref<1x200x64xf32, #tpu.memory_space<hbm>>
      %dma_start3A_172 = tpu.memref_squeeze %dma_start3A_171 : memref<1x200x64xf32, #tpu.memory_space<hbm>> -> memref<200x64xf32, #tpu.memory_space<hbm>>
      %dma_start3A_173 = arith.constant 0 : i32
      %dma_start3A_174 = arith.constant 0 : i32
      %dma_start3A_175 = tpu.memref_slice %arg5[%add3A_168, %dma_start3A_173, %dma_start3A_174] : memref<4096x200x64xf32, #tpu.memory_space<hbm>> -> memref<1x200x64xf32, #tpu.memory_space<hbm>>
      %dma_start3A_176 = tpu.memref_squeeze %dma_start3A_175 : memref<1x200x64xf32, #tpu.memory_space<hbm>> -> memref<200x64xf32, #tpu.memory_space<hbm>>
      tpu.enqueue_dma source(%arg8 : memref<200x64xf32, #tpu.memory_space<vmem>>) target(%dma_start3A_176 : memref<200x64xf32, #tpu.memory_space<hbm>>) target_semaphore(%arg24 : memref<!tpu.dma_semaphore, #tpu.memory_space<semaphore_mem>>)
      %add3A_177 = arith.constant 1 : i32
      %add3A_178 = arith.addi %mul3A_15, %add3A_177 : i32
      %dma_wait3A_179 = arith.constant 0 : i32
      %dma_wait3A_180 = arith.constant 0 : i32
      %dma_wait3A_181 = tpu.memref_slice %arg9[%dma_wait3A_179, %dma_wait3A_180] : memref<200x64xf32, #tpu.memory_space<vmem>> -> memref<104x64xf32, #tpu.memory_space<vmem>>
      %dma_wait3A_182 = arith.constant 200 : i32
      %dma_wait3A_183 = tpu.memref_slice %arg6[%dma_wait3A_182] : memref<1600xi32, #tpu.memory_space<vmem>> -> memref<104xi32, #tpu.memory_space<vmem>>
      %dma_wait3A_184 = arith.constant 0 : i32
      %dma_wait3A_185 = arith.constant 0 : i32
      %dma_wait3A_186 = tpu.memref_slice %arg3[%dma_wait3A_184, %dma_wait3A_185] : memref<1000000x64xf32, #tpu.memory_space<hbm>> -> memref<1000000x64xf32, #tpu.memory_space<hbm>>
      tpu.wait_indirect_dma semaphore(%arg17 : memref<!tpu.dma_semaphore, #tpu.memory_space<semaphore_mem>>) src(%dma_wait3A_186 : memref<1000000x64xf32, #tpu.memory_space<hbm>>) dst(%dma_wait3A_181 : memref<104x64xf32, #tpu.memory_space<vmem>>)
      %dma_wait3A_187 = arith.constant 104 : i32
      %dma_wait3A_188 = arith.constant 0 : i32
      %dma_wait3A_189 = tpu.memref_slice %arg9[%dma_wait3A_187, %dma_wait3A_188] : memref<200x64xf32, #tpu.memory_space<vmem>> -> memref<96x64xf32, #tpu.memory_space<vmem>>
      %dma_wait3A_190 = arith.constant 304 : i32
      %dma_wait3A_191 = tpu.memref_slice %arg6[%dma_wait3A_190] : memref<1600xi32, #tpu.memory_space<vmem>> -> memref<96xi32, #tpu.memory_space<vmem>>
      %dma_wait3A_192 = arith.constant 0 : i32
      %dma_wait3A_193 = arith.constant 0 : i32
      %dma_wait3A_194 = tpu.memref_slice %arg3[%dma_wait3A_192, %dma_wait3A_193] : memref<1000000x64xf32, #tpu.memory_space<hbm>> -> memref<1000000x64xf32, #tpu.memory_space<hbm>>
      tpu.wait_indirect_dma semaphore(%arg17 : memref<!tpu.dma_semaphore, #tpu.memory_space<semaphore_mem>>) src(%dma_wait3A_194 : memref<1000000x64xf32, #tpu.memory_space<hbm>>) dst(%dma_wait3A_189 : memref<96x64xf32, #tpu.memory_space<vmem>>)
      %scan3A_195 = arith.constant 0 : i32
      %scan3A_196 = arith.constant 200 : i32
      %scan3A_197 = arith.addi %scan3A_195, %scan3A_196 : i32
      %scan3A_198 = arith.constant 1 : i32
      scf.for %scan3A_465 = %scan3A_195 to %scan3A_197 step %scan3A_198  : i32 {
        %mul3A_466 = arith.constant 1 : i32
        %mul3A_467 = arith.muli %scan3A_465, %mul3A_466 : i32
        %add3A_468 = arith.constant 0 : i32
        %add3A_469 = arith.addi %add3A_468, %mul3A_467 : i32
        %get3A = arith.index_cast %add3A_469 : i32 to index
        %get3A_470 = arith.constant 0 : index
        %get3A_471 = tpu.vector_load %arg9[%get3A, %get3A_470] {strides = array<i32>} : memref<200x64xf32, #tpu.memory_space<vmem>>, vector<1x16xf32>,
        %get3A_472 = vector.shape_cast %get3A_471 : vector<1x16xf32> to vector<16xf32>
        %get3A_473 = arith.index_cast %add3A_469 : i32 to index
        %get3A_474 = arith.constant 0 : index
        %get3A_475 = tpu.vector_load %arg7[%get3A_473, %get3A_474] {strides = array<i32>} : memref<200x64xf32, #tpu.memory_space<vmem>>, vector<1x16xf32>,
        %get3A_476 = vector.shape_cast %get3A_475 : vector<1x16xf32> to vector<16xf32>
        %add3A_477 = arith.addf %get3A_472, %get3A_476 : vector<16xf32>
        %swap3A = arith.index_cast %add3A_469 : i32 to index
        %swap3A_478 = arith.constant 0 : index
        %swap3A_479 = tpu.vector_load %arg9[%swap3A, %swap3A_478] {strides = array<i32>} : memref<200x64xf32, #tpu.memory_space<vmem>>, vector<1x16xf32>,
        %swap3A_480 = vector.shape_cast %swap3A_479 : vector<1x16xf32> to vector<16xf32>
        %swap3A_481 = vector.shape_cast %add3A_477 : vector<16xf32> to vector<1x16xf32>
        tpu.vector_store %arg9[%swap3A, %swap3A_478], %swap3A_481 {strides = array<i32>} : memref<200x64xf32, #tpu.memory_space<vmem>>, vector<1x16xf32>,
        %get3A_482 = arith.index_cast %add3A_469 : i32 to index
        %get3A_483 = arith.constant 16 : index
        %get3A_484 = tpu.vector_load %arg9[%get3A_482, %get3A_483] {strides = array<i32>} : memref<200x64xf32, #tpu.memory_space<vmem>>, vector<1x16xf32>,
        %get3A_485 = vector.shape_cast %get3A_484 : vector<1x16xf32> to vector<16xf32>
        %get3A_486 = arith.index_cast %add3A_469 : i32 to index
        %get3A_487 = arith.constant 16 : index
        %get3A_488 = tpu.vector_load %arg7[%get3A_486, %get3A_487] {strides = array<i32>} : memref<200x64xf32, #tpu.memory_space<vmem>>, vector<1x16xf32>,
        %get3A_489 = vector.shape_cast %get3A_488 : vector<1x16xf32> to vector<16xf32>
        %add3A_490 = arith.addf %get3A_485, %get3A_489 : vector<16xf32>
        %swap3A_491 = arith.index_cast %add3A_469 : i32 to index
        %swap3A_492 = arith.constant 16 : index
        %swap3A_493 = tpu.vector_load %arg9[%swap3A_491, %swap3A_492] {strides = array<i32>} : memref<200x64xf32, #tpu.memory_space<vmem>>, vector<1x16xf32>,
        %swap3A_494 = vector.shape_cast %swap3A_493 : vector<1x16xf32> to vector<16xf32>
        %swap3A_495 = vector.shape_cast %add3A_490 : vector<16xf32> to vector<1x16xf32>
        tpu.vector_store %arg9[%swap3A_491, %swap3A_492], %swap3A_495 {strides = array<i32>} : memref<200x64xf32, #tpu.memory_space<vmem>>, vector<1x16xf32>,
        %get3A_496 = arith.index_cast %add3A_469 : i32 to index
        %get3A_497 = arith.constant 32 : index
        %get3A_498 = tpu.vector_load %arg9[%get3A_496, %get3A_497] {strides = array<i32>} : memref<200x64xf32, #tpu.memory_space<vmem>>, vector<1x16xf32>,
        %get3A_499 = vector.shape_cast %get3A_498 : vector<1x16xf32> to vector<16xf32>
        %get3A_500 = arith.index_cast %add3A_469 : i32 to index
        %get3A_501 = arith.constant 32 : index
        %get3A_502 = tpu.vector_load %arg7[%get3A_500, %get3A_501] {strides = array<i32>} : memref<200x64xf32, #tpu.memory_space<vmem>>, vector<1x16xf32>,
        %get3A_503 = vector.shape_cast %get3A_502 : vector<1x16xf32> to vector<16xf32>
        %add3A_504 = arith.addf %get3A_499, %get3A_503 : vector<16xf32>
        %swap3A_505 = arith.index_cast %add3A_469 : i32 to index
        %swap3A_506 = arith.constant 32 : index
        %swap3A_507 = tpu.vector_load %arg9[%swap3A_505, %swap3A_506] {strides = array<i32>} : memref<200x64xf32, #tpu.memory_space<vmem>>, vector<1x16xf32>,
        %swap3A_508 = vector.shape_cast %swap3A_507 : vector<1x16xf32> to vector<16xf32>
        %swap3A_509 = vector.shape_cast %add3A_504 : vector<16xf32> to vector<1x16xf32>
        tpu.vector_store %arg9[%swap3A_505, %swap3A_506], %swap3A_509 {strides = array<i32>} : memref<200x64xf32, #tpu.memory_space<vmem>>, vector<1x16xf32>,
        %get3A_510 = arith.index_cast %add3A_469 : i32 to index
        %get3A_511 = arith.constant 48 : index
        %get3A_512 = tpu.vector_load %arg9[%get3A_510, %get3A_511] {strides = array<i32>} : memref<200x64xf32, #tpu.memory_space<vmem>>, vector<1x16xf32>,
        %get3A_513 = vector.shape_cast %get3A_512 : vector<1x16xf32> to vector<16xf32>
        %get3A_514 = arith.index_cast %add3A_469 : i32 to index
        %get3A_515 = arith.constant 48 : index
        %get3A_516 = tpu.vector_load %arg7[%get3A_514, %get3A_515] {strides = array<i32>} : memref<200x64xf32, #tpu.memory_space<vmem>>, vector<1x16xf32>,
        %get3A_517 = vector.shape_cast %get3A_516 : vector<1x16xf32> to vector<16xf32>
        %add3A_518 = arith.addf %get3A_513, %get3A_517 : vector<16xf32>
        %swap3A_519 = arith.index_cast %add3A_469 : i32 to index
        %swap3A_520 = arith.constant 48 : index
        %swap3A_521 = tpu.vector_load %arg9[%swap3A_519, %swap3A_520] {strides = array<i32>} : memref<200x64xf32, #tpu.memory_space<vmem>>, vector<1x16xf32>,
        %swap3A_522 = vector.shape_cast %swap3A_521 : vector<1x16xf32> to vector<16xf32>
        %swap3A_523 = vector.shape_cast %add3A_518 : vector<16xf32> to vector<1x16xf32>
        tpu.vector_store %arg9[%swap3A_519, %swap3A_520], %swap3A_523 {strides = array<i32>} : memref<200x64xf32, #tpu.memory_space<vmem>>, vector<1x16xf32>,
      }
      %scan3A_199 = arith.constant 200 : i32
      %add3A_200 = arith.addi %mul3A_4, %add3A_178 : i32
      %dma_start3A_201 = arith.constant 0 : i32
      %dma_start3A_202 = arith.constant 0 : i32
      %dma_start3A_203 = tpu.memref_slice %arg5[%add3A_200, %dma_start3A_201, %dma_start3A_202] : memref<4096x200x64xf32, #tpu.memory_space<hbm>> -> memref<1x200x64xf32, #tpu.memory_space<hbm>>
      %dma_start3A_204 = tpu.memref_squeeze %dma_start3A_203 : memref<1x200x64xf32, #tpu.memory_space<hbm>> -> memref<200x64xf32, #tpu.memory_space<hbm>>
      %dma_start3A_205 = arith.constant 0 : i32
      %dma_start3A_206 = arith.constant 0 : i32
      %dma_start3A_207 = tpu.memref_slice %arg5[%add3A_200, %dma_start3A_205, %dma_start3A_206] : memref<4096x200x64xf32, #tpu.memory_space<hbm>> -> memref<1x200x64xf32, #tpu.memory_space<hbm>>
      %dma_start3A_208 = tpu.memref_squeeze %dma_start3A_207 : memref<1x200x64xf32, #tpu.memory_space<hbm>> -> memref<200x64xf32, #tpu.memory_space<hbm>>
      tpu.enqueue_dma source(%arg9 : memref<200x64xf32, #tpu.memory_space<vmem>>) target(%dma_start3A_208 : memref<200x64xf32, #tpu.memory_space<hbm>>) target_semaphore(%arg25 : memref<!tpu.dma_semaphore, #tpu.memory_space<semaphore_mem>>)
      %add3A_209 = arith.constant 2 : i32
      %add3A_210 = arith.addi %mul3A_15, %add3A_209 : i32
      %dma_wait3A_211 = arith.constant 0 : i32
      %dma_wait3A_212 = arith.constant 0 : i32
      %dma_wait3A_213 = tpu.memref_slice %arg10[%dma_wait3A_211, %dma_wait3A_212] : memref<200x64xf32, #tpu.memory_space<vmem>> -> memref<104x64xf32, #tpu.memory_space<vmem>>
      %dma_wait3A_214 = arith.constant 400 : i32
      %dma_wait3A_215 = tpu.memref_slice %arg6[%dma_wait3A_214] : memref<1600xi32, #tpu.memory_space<vmem>> -> memref<104xi32, #tpu.memory_space<vmem>>
      %dma_wait3A_216 = arith.constant 0 : i32
      %dma_wait3A_217 = arith.constant 0 : i32
      %dma_wait3A_218 = tpu.memref_slice %arg3[%dma_wait3A_216, %dma_wait3A_217] : memref<1000000x64xf32, #tpu.memory_space<hbm>> -> memref<1000000x64xf32, #tpu.memory_space<hbm>>
      tpu.wait_indirect_dma semaphore(%arg18 : memref<!tpu.dma_semaphore, #tpu.memory_space<semaphore_mem>>) src(%dma_wait3A_218 : memref<1000000x64xf32, #tpu.memory_space<hbm>>) dst(%dma_wait3A_213 : memref<104x64xf32, #tpu.memory_space<vmem>>)
      %dma_wait3A_219 = arith.constant 104 : i32
      %dma_wait3A_220 = arith.constant 0 : i32
      %dma_wait3A_221 = tpu.memref_slice %arg10[%dma_wait3A_219, %dma_wait3A_220] : memref<200x64xf32, #tpu.memory_space<vmem>> -> memref<96x64xf32, #tpu.memory_space<vmem>>
      %dma_wait3A_222 = arith.constant 504 : i32
      %dma_wait3A_223 = tpu.memref_slice %arg6[%dma_wait3A_222] : memref<1600xi32, #tpu.memory_space<vmem>> -> memref<96xi32, #tpu.memory_space<vmem>>
      %dma_wait3A_224 = arith.constant 0 : i32
      %dma_wait3A_225 = arith.constant 0 : i32
      %dma_wait3A_226 = tpu.memref_slice %arg3[%dma_wait3A_224, %dma_wait3A_225] : memref<1000000x64xf32, #tpu.memory_space<hbm>> -> memref<1000000x64xf32, #tpu.memory_space<hbm>>
      tpu.wait_indirect_dma semaphore(%arg18 : memref<!tpu.dma_semaphore, #tpu.memory_space<semaphore_mem>>) src(%dma_wait3A_226 : memref<1000000x64xf32, #tpu.memory_space<hbm>>) dst(%dma_wait3A_221 : memref<96x64xf32, #tpu.memory_space<vmem>>)
      %scan3A_227 = arith.constant 0 : i32
      %scan3A_228 = arith.constant 200 : i32
      %scan3A_229 = arith.addi %scan3A_227, %scan3A_228 : i32
      %scan3A_230 = arith.constant 1 : i32
      scf.for %scan3A_465 = %scan3A_227 to %scan3A_229 step %scan3A_230  : i32 {
        %mul3A_466 = arith.constant 1 : i32
        %mul3A_467 = arith.muli %scan3A_465, %mul3A_466 : i32
        %add3A_468 = arith.constant 0 : i32
        %add3A_469 = arith.addi %add3A_468, %mul3A_467 : i32
        %get3A = arith.index_cast %add3A_469 : i32 to index
        %get3A_470 = arith.constant 0 : index
        %get3A_471 = tpu.vector_load %arg10[%get3A, %get3A_470] {strides = array<i32>} : memref<200x64xf32, #tpu.memory_space<vmem>>, vector<1x16xf32>,
        %get3A_472 = vector.shape_cast %get3A_471 : vector<1x16xf32> to vector<16xf32>
        %get3A_473 = arith.index_cast %add3A_469 : i32 to index
        %get3A_474 = arith.constant 0 : index
        %get3A_475 = tpu.vector_load %arg7[%get3A_473, %get3A_474] {strides = array<i32>} : memref<200x64xf32, #tpu.memory_space<vmem>>, vector<1x16xf32>,
        %get3A_476 = vector.shape_cast %get3A_475 : vector<1x16xf32> to vector<16xf32>
        %add3A_477 = arith.addf %get3A_472, %get3A_476 : vector<16xf32>
        %swap3A = arith.index_cast %add3A_469 : i32 to index
        %swap3A_478 = arith.constant 0 : index
        %swap3A_479 = tpu.vector_load %arg10[%swap3A, %swap3A_478] {strides = array<i32>} : memref<200x64xf32, #tpu.memory_space<vmem>>, vector<1x16xf32>,
        %swap3A_480 = vector.shape_cast %swap3A_479 : vector<1x16xf32> to vector<16xf32>
        %swap3A_481 = vector.shape_cast %add3A_477 : vector<16xf32> to vector<1x16xf32>
        tpu.vector_store %arg10[%swap3A, %swap3A_478], %swap3A_481 {strides = array<i32>} : memref<200x64xf32, #tpu.memory_space<vmem>>, vector<1x16xf32>,
        %get3A_482 = arith.index_cast %add3A_469 : i32 to index
        %get3A_483 = arith.constant 16 : index
        %get3A_484 = tpu.vector_load %arg10[%get3A_482, %get3A_483] {strides = array<i32>} : memref<200x64xf32, #tpu.memory_space<vmem>>, vector<1x16xf32>,
        %get3A_485 = vector.shape_cast %get3A_484 : vector<1x16xf32> to vector<16xf32>
        %get3A_486 = arith.index_cast %add3A_469 : i32 to index
        %get3A_487 = arith.constant 16 : index
        %get3A_488 = tpu.vector_load %arg7[%get3A_486, %get3A_487] {strides = array<i32>} : memref<200x64xf32, #tpu.memory_space<vmem>>, vector<1x16xf32>,
        %get3A_489 = vector.shape_cast %get3A_488 : vector<1x16xf32> to vector<16xf32>
        %add3A_490 = arith.addf %get3A_485, %get3A_489 : vector<16xf32>
        %swap3A_491 = arith.index_cast %add3A_469 : i32 to index
        %swap3A_492 = arith.constant 16 : index
        %swap3A_493 = tpu.vector_load %arg10[%swap3A_491, %swap3A_492] {strides = array<i32>} : memref<200x64xf32, #tpu.memory_space<vmem>>, vector<1x16xf32>,
        %swap3A_494 = vector.shape_cast %swap3A_493 : vector<1x16xf32> to vector<16xf32>
        %swap3A_495 = vector.shape_cast %add3A_490 : vector<16xf32> to vector<1x16xf32>
        tpu.vector_store %arg10[%swap3A_491, %swap3A_492], %swap3A_495 {strides = array<i32>} : memref<200x64xf32, #tpu.memory_space<vmem>>, vector<1x16xf32>,
        %get3A_496 = arith.index_cast %add3A_469 : i32 to index
        %get3A_497 = arith.constant 32 : index
        %get3A_498 = tpu.vector_load %arg10[%get3A_496, %get3A_497] {strides = array<i32>} : memref<200x64xf32, #tpu.memory_space<vmem>>, vector<1x16xf32>,
        %get3A_499 = vector.shape_cast %get3A_498 : vector<1x16xf32> to vector<16xf32>
        %get3A_500 = arith.index_cast %add3A_469 : i32 to index
        %get3A_501 = arith.constant 32 : index
        %get3A_502 = tpu.vector_load %arg7[%get3A_500, %get3A_501] {strides = array<i32>} : memref<200x64xf32, #tpu.memory_space<vmem>>, vector<1x16xf32>,
        %get3A_503 = vector.shape_cast %get3A_502 : vector<1x16xf32> to vector<16xf32>
        %add3A_504 = arith.addf %get3A_499, %get3A_503 : vector<16xf32>
        %swap3A_505 = arith.index_cast %add3A_469 : i32 to index
        %swap3A_506 = arith.constant 32 : index
        %swap3A_507 = tpu.vector_load %arg10[%swap3A_505, %swap3A_506] {strides = array<i32>} : memref<200x64xf32, #tpu.memory_space<vmem>>, vector<1x16xf32>,
        %swap3A_508 = vector.shape_cast %swap3A_507 : vector<1x16xf32> to vector<16xf32>
        %swap3A_509 = vector.shape_cast %add3A_504 : vector<16xf32> to vector<1x16xf32>
        tpu.vector_store %arg10[%swap3A_505, %swap3A_506], %swap3A_509 {strides = array<i32>} : memref<200x64xf32, #tpu.memory_space<vmem>>, vector<1x16xf32>,
        %get3A_510 = arith.index_cast %add3A_469 : i32 to index
        %get3A_511 = arith.constant 48 : index
        %get3A_512 = tpu.vector_load %arg10[%get3A_510, %get3A_511] {strides = array<i32>} : memref<200x64xf32, #tpu.memory_space<vmem>>, vector<1x16xf32>,
        %get3A_513 = vector.shape_cast %get3A_512 : vector<1x16xf32> to vector<16xf32>
        %get3A_514 = arith.index_cast %add3A_469 : i32 to index
        %get3A_515 = arith.constant 48 : index
        %get3A_516 = tpu.vector_load %arg7[%get3A_514, %get3A_515] {strides = array<i32>} : memref<200x64xf32, #tpu.memory_space<vmem>>, vector<1x16xf32>,
        %get3A_517 = vector.shape_cast %get3A_516 : vector<1x16xf32> to vector<16xf32>
        %add3A_518 = arith.addf %get3A_513, %get3A_517 : vector<16xf32>
        %swap3A_519 = arith.index_cast %add3A_469 : i32 to index
        %swap3A_520 = arith.constant 48 : index
        %swap3A_521 = tpu.vector_load %arg10[%swap3A_519, %swap3A_520] {strides = array<i32>} : memref<200x64xf32, #tpu.memory_space<vmem>>, vector<1x16xf32>,
        %swap3A_522 = vector.shape_cast %swap3A_521 : vector<1x16xf32> to vector<16xf32>
        %swap3A_523 = vector.shape_cast %add3A_518 : vector<16xf32> to vector<1x16xf32>
        tpu.vector_store %arg10[%swap3A_519, %swap3A_520], %swap3A_523 {strides = array<i32>} : memref<200x64xf32, #tpu.memory_space<vmem>>, vector<1x16xf32>,
      }
      %scan3A_231 = arith.constant 200 : i32
      %add3A_232 = arith.addi %mul3A_4, %add3A_210 : i32
      %dma_start3A_233 = arith.constant 0 : i32
      %dma_start3A_234 = arith.constant 0 : i32
      %dma_start3A_235 = tpu.memref_slice %arg5[%add3A_232, %dma_start3A_233, %dma_start3A_234] : memref<4096x200x64xf32, #tpu.memory_space<hbm>> -> memref<1x200x64xf32, #tpu.memory_space<hbm>>
      %dma_start3A_236 = tpu.memref_squeeze %dma_start3A_235 : memref<1x200x64xf32, #tpu.memory_space<hbm>> -> memref<200x64xf32, #tpu.memory_space<hbm>>
      %dma_start3A_237 = arith.constant 0 : i32
      %dma_start3A_238 = arith.constant 0 : i32
      %dma_start3A_239 = tpu.memref_slice %arg5[%add3A_232, %dma_start3A_237, %dma_start3A_238] : memref<4096x200x64xf32, #tpu.memory_space<hbm>> -> memref<1x200x64xf32, #tpu.memory_space<hbm>>
      %dma_start3A_240 = tpu.memref_squeeze %dma_start3A_239 : memref<1x200x64xf32, #tpu.memory_space<hbm>> -> memref<200x64xf32, #tpu.memory_space<hbm>>
      tpu.enqueue_dma source(%arg10 : memref<200x64xf32, #tpu.memory_space<vmem>>) target(%dma_start3A_240 : memref<200x64xf32, #tpu.memory_space<hbm>>) target_semaphore(%arg26 : memref<!tpu.dma_semaphore, #tpu.memory_space<semaphore_mem>>)
      %add3A_241 = arith.constant 3 : i32
      %add3A_242 = arith.addi %mul3A_15, %add3A_241 : i32
      %dma_wait3A_243 = arith.constant 0 : i32
      %dma_wait3A_244 = arith.constant 0 : i32
      %dma_wait3A_245 = tpu.memref_slice %arg11[%dma_wait3A_243, %dma_wait3A_244] : memref<200x64xf32, #tpu.memory_space<vmem>> -> memref<104x64xf32, #tpu.memory_space<vmem>>
      %dma_wait3A_246 = arith.constant 600 : i32
      %dma_wait3A_247 = tpu.memref_slice %arg6[%dma_wait3A_246] : memref<1600xi32, #tpu.memory_space<vmem>> -> memref<104xi32, #tpu.memory_space<vmem>>
      %dma_wait3A_248 = arith.constant 0 : i32
      %dma_wait3A_249 = arith.constant 0 : i32
      %dma_wait3A_250 = tpu.memref_slice %arg3[%dma_wait3A_248, %dma_wait3A_249] : memref<1000000x64xf32, #tpu.memory_space<hbm>> -> memref<1000000x64xf32, #tpu.memory_space<hbm>>
      tpu.wait_indirect_dma semaphore(%arg19 : memref<!tpu.dma_semaphore, #tpu.memory_space<semaphore_mem>>) src(%dma_wait3A_250 : memref<1000000x64xf32, #tpu.memory_space<hbm>>) dst(%dma_wait3A_245 : memref<104x64xf32, #tpu.memory_space<vmem>>)
      %dma_wait3A_251 = arith.constant 104 : i32
      %dma_wait3A_252 = arith.constant 0 : i32
      %dma_wait3A_253 = tpu.memref_slice %arg11[%dma_wait3A_251, %dma_wait3A_252] : memref<200x64xf32, #tpu.memory_space<vmem>> -> memref<96x64xf32, #tpu.memory_space<vmem>>
      %dma_wait3A_254 = arith.constant 704 : i32
      %dma_wait3A_255 = tpu.memref_slice %arg6[%dma_wait3A_254] : memref<1600xi32, #tpu.memory_space<vmem>> -> memref<96xi32, #tpu.memory_space<vmem>>
      %dma_wait3A_256 = arith.constant 0 : i32
      %dma_wait3A_257 = arith.constant 0 : i32
      %dma_wait3A_258 = tpu.memref_slice %arg3[%dma_wait3A_256, %dma_wait3A_257] : memref<1000000x64xf32, #tpu.memory_space<hbm>> -> memref<1000000x64xf32, #tpu.memory_space<hbm>>
      tpu.wait_indirect_dma semaphore(%arg19 : memref<!tpu.dma_semaphore, #tpu.memory_space<semaphore_mem>>) src(%dma_wait3A_258 : memref<1000000x64xf32, #tpu.memory_space<hbm>>) dst(%dma_wait3A_253 : memref<96x64xf32, #tpu.memory_space<vmem>>)
      %scan3A_259 = arith.constant 0 : i32
      %scan3A_260 = arith.constant 200 : i32
      %scan3A_261 = arith.addi %scan3A_259, %scan3A_260 : i32
      %scan3A_262 = arith.constant 1 : i32
      scf.for %scan3A_465 = %scan3A_259 to %scan3A_261 step %scan3A_262  : i32 {
        %mul3A_466 = arith.constant 1 : i32
        %mul3A_467 = arith.muli %scan3A_465, %mul3A_466 : i32
        %add3A_468 = arith.constant 0 : i32
        %add3A_469 = arith.addi %add3A_468, %mul3A_467 : i32
        %get3A = arith.index_cast %add3A_469 : i32 to index
        %get3A_470 = arith.constant 0 : index
        %get3A_471 = tpu.vector_load %arg11[%get3A, %get3A_470] {strides = array<i32>} : memref<200x64xf32, #tpu.memory_space<vmem>>, vector<1x16xf32>,
        %get3A_472 = vector.shape_cast %get3A_471 : vector<1x16xf32> to vector<16xf32>
        %get3A_473 = arith.index_cast %add3A_469 : i32 to index
        %get3A_474 = arith.constant 0 : index
        %get3A_475 = tpu.vector_load %arg7[%get3A_473, %get3A_474] {strides = array<i32>} : memref<200x64xf32, #tpu.memory_space<vmem>>, vector<1x16xf32>,
        %get3A_476 = vector.shape_cast %get3A_475 : vector<1x16xf32> to vector<16xf32>
        %add3A_477 = arith.addf %get3A_472, %get3A_476 : vector<16xf32>
        %swap3A = arith.index_cast %add3A_469 : i32 to index
        %swap3A_478 = arith.constant 0 : index
        %swap3A_479 = tpu.vector_load %arg11[%swap3A, %swap3A_478] {strides = array<i32>} : memref<200x64xf32, #tpu.memory_space<vmem>>, vector<1x16xf32>,
        %swap3A_480 = vector.shape_cast %swap3A_479 : vector<1x16xf32> to vector<16xf32>
        %swap3A_481 = vector.shape_cast %add3A_477 : vector<16xf32> to vector<1x16xf32>
        tpu.vector_store %arg11[%swap3A, %swap3A_478], %swap3A_481 {strides = array<i32>} : memref<200x64xf32, #tpu.memory_space<vmem>>, vector<1x16xf32>,
        %get3A_482 = arith.index_cast %add3A_469 : i32 to index
        %get3A_483 = arith.constant 16 : index
        %get3A_484 = tpu.vector_load %arg11[%get3A_482, %get3A_483] {strides = array<i32>} : memref<200x64xf32, #tpu.memory_space<vmem>>, vector<1x16xf32>,
        %get3A_485 = vector.shape_cast %get3A_484 : vector<1x16xf32> to vector<16xf32>
        %get3A_486 = arith.index_cast %add3A_469 : i32 to index
        %get3A_487 = arith.constant 16 : index
        %get3A_488 = tpu.vector_load %arg7[%get3A_486, %get3A_487] {strides = array<i32>} : memref<200x64xf32, #tpu.memory_space<vmem>>, vector<1x16xf32>,
        %get3A_489 = vector.shape_cast %get3A_488 : vector<1x16xf32> to vector<16xf32>
        %add3A_490 = arith.addf %get3A_485, %get3A_489 : vector<16xf32>
        %swap3A_491 = arith.index_cast %add3A_469 : i32 to index
        %swap3A_492 = arith.constant 16 : index
        %swap3A_493 = tpu.vector_load %arg11[%swap3A_491, %swap3A_492] {strides = array<i32>} : memref<200x64xf32, #tpu.memory_space<vmem>>, vector<1x16xf32>,
        %swap3A_494 = vector.shape_cast %swap3A_493 : vector<1x16xf32> to vector<16xf32>
        %swap3A_495 = vector.shape_cast %add3A_490 : vector<16xf32> to vector<1x16xf32>
        tpu.vector_store %arg11[%swap3A_491, %swap3A_492], %swap3A_495 {strides = array<i32>} : memref<200x64xf32, #tpu.memory_space<vmem>>, vector<1x16xf32>,
        %get3A_496 = arith.index_cast %add3A_469 : i32 to index
        %get3A_497 = arith.constant 32 : index
        %get3A_498 = tpu.vector_load %arg11[%get3A_496, %get3A_497] {strides = array<i32>} : memref<200x64xf32, #tpu.memory_space<vmem>>, vector<1x16xf32>,
        %get3A_499 = vector.shape_cast %get3A_498 : vector<1x16xf32> to vector<16xf32>
        %get3A_500 = arith.index_cast %add3A_469 : i32 to index
        %get3A_501 = arith.constant 32 : index
        %get3A_502 = tpu.vector_load %arg7[%get3A_500, %get3A_501] {strides = array<i32>} : memref<200x64xf32, #tpu.memory_space<vmem>>, vector<1x16xf32>,
        %get3A_503 = vector.shape_cast %get3A_502 : vector<1x16xf32> to vector<16xf32>
        %add3A_504 = arith.addf %get3A_499, %get3A_503 : vector<16xf32>
        %swap3A_505 = arith.index_cast %add3A_469 : i32 to index
        %swap3A_506 = arith.constant 32 : index
        %swap3A_507 = tpu.vector_load %arg11[%swap3A_505, %swap3A_506] {strides = array<i32>} : memref<200x64xf32, #tpu.memory_space<vmem>>, vector<1x16xf32>,
        %swap3A_508 = vector.shape_cast %swap3A_507 : vector<1x16xf32> to vector<16xf32>
        %swap3A_509 = vector.shape_cast %add3A_504 : vector<16xf32> to vector<1x16xf32>
        tpu.vector_store %arg11[%swap3A_505, %swap3A_506], %swap3A_509 {strides = array<i32>} : memref<200x64xf32, #tpu.memory_space<vmem>>, vector<1x16xf32>,
        %get3A_510 = arith.index_cast %add3A_469 : i32 to index
        %get3A_511 = arith.constant 48 : index
        %get3A_512 = tpu.vector_load %arg11[%get3A_510, %get3A_511] {strides = array<i32>} : memref<200x64xf32, #tpu.memory_space<vmem>>, vector<1x16xf32>,
        %get3A_513 = vector.shape_cast %get3A_512 : vector<1x16xf32> to vector<16xf32>
        %get3A_514 = arith.index_cast %add3A_469 : i32 to index
        %get3A_515 = arith.constant 48 : index
        %get3A_516 = tpu.vector_load %arg7[%get3A_514, %get3A_515] {strides = array<i32>} : memref<200x64xf32, #tpu.memory_space<vmem>>, vector<1x16xf32>,
        %get3A_517 = vector.shape_cast %get3A_516 : vector<1x16xf32> to vector<16xf32>
        %add3A_518 = arith.addf %get3A_513, %get3A_517 : vector<16xf32>
        %swap3A_519 = arith.index_cast %add3A_469 : i32 to index
        %swap3A_520 = arith.constant 48 : index
        %swap3A_521 = tpu.vector_load %arg11[%swap3A_519, %swap3A_520] {strides = array<i32>} : memref<200x64xf32, #tpu.memory_space<vmem>>, vector<1x16xf32>,
        %swap3A_522 = vector.shape_cast %swap3A_521 : vector<1x16xf32> to vector<16xf32>
        %swap3A_523 = vector.shape_cast %add3A_518 : vector<16xf32> to vector<1x16xf32>
        tpu.vector_store %arg11[%swap3A_519, %swap3A_520], %swap3A_523 {strides = array<i32>} : memref<200x64xf32, #tpu.memory_space<vmem>>, vector<1x16xf32>,
      }
      %scan3A_263 = arith.constant 200 : i32
      %add3A_264 = arith.addi %mul3A_4, %add3A_242 : i32
      %dma_start3A_265 = arith.constant 0 : i32
      %dma_start3A_266 = arith.constant 0 : i32
      %dma_start3A_267 = tpu.memref_slice %arg5[%add3A_264, %dma_start3A_265, %dma_start3A_266] : memref<4096x200x64xf32, #tpu.memory_space<hbm>> -> memref<1x200x64xf32, #tpu.memory_space<hbm>>
      %dma_start3A_268 = tpu.memref_squeeze %dma_start3A_267 : memref<1x200x64xf32, #tpu.memory_space<hbm>> -> memref<200x64xf32, #tpu.memory_space<hbm>>
      %dma_start3A_269 = arith.constant 0 : i32
      %dma_start3A_270 = arith.constant 0 : i32
      %dma_start3A_271 = tpu.memref_slice %arg5[%add3A_264, %dma_start3A_269, %dma_start3A_270] : memref<4096x200x64xf32, #tpu.memory_space<hbm>> -> memref<1x200x64xf32, #tpu.memory_space<hbm>>
      %dma_start3A_272 = tpu.memref_squeeze %dma_start3A_271 : memref<1x200x64xf32, #tpu.memory_space<hbm>> -> memref<200x64xf32, #tpu.memory_space<hbm>>
      tpu.enqueue_dma source(%arg11 : memref<200x64xf32, #tpu.memory_space<vmem>>) target(%dma_start3A_272 : memref<200x64xf32, #tpu.memory_space<hbm>>) target_semaphore(%arg27 : memref<!tpu.dma_semaphore, #tpu.memory_space<semaphore_mem>>)
      %add3A_273 = arith.constant 4 : i32
      %add3A_274 = arith.addi %mul3A_15, %add3A_273 : i32
      %dma_wait3A_275 = arith.constant 0 : i32
      %dma_wait3A_276 = arith.constant 0 : i32
      %dma_wait3A_277 = tpu.memref_slice %arg12[%dma_wait3A_275, %dma_wait3A_276] : memref<200x64xf32, #tpu.memory_space<vmem>> -> memref<104x64xf32, #tpu.memory_space<vmem>>
      %dma_wait3A_278 = arith.constant 800 : i32
      %dma_wait3A_279 = tpu.memref_slice %arg6[%dma_wait3A_278] : memref<1600xi32, #tpu.memory_space<vmem>> -> memref<104xi32, #tpu.memory_space<vmem>>
      %dma_wait3A_280 = arith.constant 0 : i32
      %dma_wait3A_281 = arith.constant 0 : i32
      %dma_wait3A_282 = tpu.memref_slice %arg3[%dma_wait3A_280, %dma_wait3A_281] : memref<1000000x64xf32, #tpu.memory_space<hbm>> -> memref<1000000x64xf32, #tpu.memory_space<hbm>>
      tpu.wait_indirect_dma semaphore(%arg20 : memref<!tpu.dma_semaphore, #tpu.memory_space<semaphore_mem>>) src(%dma_wait3A_282 : memref<1000000x64xf32, #tpu.memory_space<hbm>>) dst(%dma_wait3A_277 : memref<104x64xf32, #tpu.memory_space<vmem>>)
      %dma_wait3A_283 = arith.constant 104 : i32
      %dma_wait3A_284 = arith.constant 0 : i32
      %dma_wait3A_285 = tpu.memref_slice %arg12[%dma_wait3A_283, %dma_wait3A_284] : memref<200x64xf32, #tpu.memory_space<vmem>> -> memref<96x64xf32, #tpu.memory_space<vmem>>
      %dma_wait3A_286 = arith.constant 904 : i32
      %dma_wait3A_287 = tpu.memref_slice %arg6[%dma_wait3A_286] : memref<1600xi32, #tpu.memory_space<vmem>> -> memref<96xi32, #tpu.memory_space<vmem>>
      %dma_wait3A_288 = arith.constant 0 : i32
      %dma_wait3A_289 = arith.constant 0 : i32
      %dma_wait3A_290 = tpu.memref_slice %arg3[%dma_wait3A_288, %dma_wait3A_289] : memref<1000000x64xf32, #tpu.memory_space<hbm>> -> memref<1000000x64xf32, #tpu.memory_space<hbm>>
      tpu.wait_indirect_dma semaphore(%arg20 : memref<!tpu.dma_semaphore, #tpu.memory_space<semaphore_mem>>) src(%dma_wait3A_290 : memref<1000000x64xf32, #tpu.memory_space<hbm>>) dst(%dma_wait3A_285 : memref<96x64xf32, #tpu.memory_space<vmem>>)
      %scan3A_291 = arith.constant 0 : i32
      %scan3A_292 = arith.constant 200 : i32
      %scan3A_293 = arith.addi %scan3A_291, %scan3A_292 : i32
      %scan3A_294 = arith.constant 1 : i32
      scf.for %scan3A_465 = %scan3A_291 to %scan3A_293 step %scan3A_294  : i32 {
        %mul3A_466 = arith.constant 1 : i32
        %mul3A_467 = arith.muli %scan3A_465, %mul3A_466 : i32
        %add3A_468 = arith.constant 0 : i32
        %add3A_469 = arith.addi %add3A_468, %mul3A_467 : i32
        %get3A = arith.index_cast %add3A_469 : i32 to index
        %get3A_470 = arith.constant 0 : index
        %get3A_471 = tpu.vector_load %arg12[%get3A, %get3A_470] {strides = array<i32>} : memref<200x64xf32, #tpu.memory_space<vmem>>, vector<1x16xf32>,
        %get3A_472 = vector.shape_cast %get3A_471 : vector<1x16xf32> to vector<16xf32>
        %get3A_473 = arith.index_cast %add3A_469 : i32 to index
        %get3A_474 = arith.constant 0 : index
        %get3A_475 = tpu.vector_load %arg7[%get3A_473, %get3A_474] {strides = array<i32>} : memref<200x64xf32, #tpu.memory_space<vmem>>, vector<1x16xf32>,
        %get3A_476 = vector.shape_cast %get3A_475 : vector<1x16xf32> to vector<16xf32>
        %add3A_477 = arith.addf %get3A_472, %get3A_476 : vector<16xf32>
        %swap3A = arith.index_cast %add3A_469 : i32 to index
        %swap3A_478 = arith.constant 0 : index
        %swap3A_479 = tpu.vector_load %arg12[%swap3A, %swap3A_478] {strides = array<i32>} : memref<200x64xf32, #tpu.memory_space<vmem>>, vector<1x16xf32>,
        %swap3A_480 = vector.shape_cast %swap3A_479 : vector<1x16xf32> to vector<16xf32>
        %swap3A_481 = vector.shape_cast %add3A_477 : vector<16xf32> to vector<1x16xf32>
        tpu.vector_store %arg12[%swap3A, %swap3A_478], %swap3A_481 {strides = array<i32>} : memref<200x64xf32, #tpu.memory_space<vmem>>, vector<1x16xf32>,
        %get3A_482 = arith.index_cast %add3A_469 : i32 to index
        %get3A_483 = arith.constant 16 : index
        %get3A_484 = tpu.vector_load %arg12[%get3A_482, %get3A_483] {strides = array<i32>} : memref<200x64xf32, #tpu.memory_space<vmem>>, vector<1x16xf32>,
        %get3A_485 = vector.shape_cast %get3A_484 : vector<1x16xf32> to vector<16xf32>
        %get3A_486 = arith.index_cast %add3A_469 : i32 to index
        %get3A_487 = arith.constant 16 : index
        %get3A_488 = tpu.vector_load %arg7[%get3A_486, %get3A_487] {strides = array<i32>} : memref<200x64xf32, #tpu.memory_space<vmem>>, vector<1x16xf32>,
        %get3A_489 = vector.shape_cast %get3A_488 : vector<1x16xf32> to vector<16xf32>
        %add3A_490 = arith.addf %get3A_485, %get3A_489 : vector<16xf32>
        %swap3A_491 = arith.index_cast %add3A_469 : i32 to index
        %swap3A_492 = arith.constant 16 : index
        %swap3A_493 = tpu.vector_load %arg12[%swap3A_491, %swap3A_492] {strides = array<i32>} : memref<200x64xf32, #tpu.memory_space<vmem>>, vector<1x16xf32>,
        %swap3A_494 = vector.shape_cast %swap3A_493 : vector<1x16xf32> to vector<16xf32>
        %swap3A_495 = vector.shape_cast %add3A_490 : vector<16xf32> to vector<1x16xf32>
        tpu.vector_store %arg12[%swap3A_491, %swap3A_492], %swap3A_495 {strides = array<i32>} : memref<200x64xf32, #tpu.memory_space<vmem>>, vector<1x16xf32>,
        %get3A_496 = arith.index_cast %add3A_469 : i32 to index
        %get3A_497 = arith.constant 32 : index
        %get3A_498 = tpu.vector_load %arg12[%get3A_496, %get3A_497] {strides = array<i32>} : memref<200x64xf32, #tpu.memory_space<vmem>>, vector<1x16xf32>,
        %get3A_499 = vector.shape_cast %get3A_498 : vector<1x16xf32> to vector<16xf32>
        %get3A_500 = arith.index_cast %add3A_469 : i32 to index
        %get3A_501 = arith.constant 32 : index
        %get3A_502 = tpu.vector_load %arg7[%get3A_500, %get3A_501] {strides = array<i32>} : memref<200x64xf32, #tpu.memory_space<vmem>>, vector<1x16xf32>,
        %get3A_503 = vector.shape_cast %get3A_502 : vector<1x16xf32> to vector<16xf32>
        %add3A_504 = arith.addf %get3A_499, %get3A_503 : vector<16xf32>
        %swap3A_505 = arith.index_cast %add3A_469 : i32 to index
        %swap3A_506 = arith.constant 32 : index
        %swap3A_507 = tpu.vector_load %arg12[%swap3A_505, %swap3A_506] {strides = array<i32>} : memref<200x64xf32, #tpu.memory_space<vmem>>, vector<1x16xf32>,
        %swap3A_508 = vector.shape_cast %swap3A_507 : vector<1x16xf32> to vector<16xf32>
        %swap3A_509 = vector.shape_cast %add3A_504 : vector<16xf32> to vector<1x16xf32>
        tpu.vector_store %arg12[%swap3A_505, %swap3A_506], %swap3A_509 {strides = array<i32>} : memref<200x64xf32, #tpu.memory_space<vmem>>, vector<1x16xf32>,
        %get3A_510 = arith.index_cast %add3A_469 : i32 to index
        %get3A_511 = arith.constant 48 : index
        %get3A_512 = tpu.vector_load %arg12[%get3A_510, %get3A_511] {strides = array<i32>} : memref<200x64xf32, #tpu.memory_space<vmem>>, vector<1x16xf32>,
        %get3A_513 = vector.shape_cast %get3A_512 : vector<1x16xf32> to vector<16xf32>
        %get3A_514 = arith.index_cast %add3A_469 : i32 to index
        %get3A_515 = arith.constant 48 : index
        %get3A_516 = tpu.vector_load %arg7[%get3A_514, %get3A_515] {strides = array<i32>} : memref<200x64xf32, #tpu.memory_space<vmem>>, vector<1x16xf32>,
        %get3A_517 = vector.shape_cast %get3A_516 : vector<1x16xf32> to vector<16xf32>
        %add3A_518 = arith.addf %get3A_513, %get3A_517 : vector<16xf32>
        %swap3A_519 = arith.index_cast %add3A_469 : i32 to index
        %swap3A_520 = arith.constant 48 : index
        %swap3A_521 = tpu.vector_load %arg12[%swap3A_519, %swap3A_520] {strides = array<i32>} : memref<200x64xf32, #tpu.memory_space<vmem>>, vector<1x16xf32>,
        %swap3A_522 = vector.shape_cast %swap3A_521 : vector<1x16xf32> to vector<16xf32>
        %swap3A_523 = vector.shape_cast %add3A_518 : vector<16xf32> to vector<1x16xf32>
        tpu.vector_store %arg12[%swap3A_519, %swap3A_520], %swap3A_523 {strides = array<i32>} : memref<200x64xf32, #tpu.memory_space<vmem>>, vector<1x16xf32>,
      }
      %scan3A_295 = arith.constant 200 : i32
      %add3A_296 = arith.addi %mul3A_4, %add3A_274 : i32
      %dma_start3A_297 = arith.constant 0 : i32
      %dma_start3A_298 = arith.constant 0 : i32
      %dma_start3A_299 = tpu.memref_slice %arg5[%add3A_296, %dma_start3A_297, %dma_start3A_298] : memref<4096x200x64xf32, #tpu.memory_space<hbm>> -> memref<1x200x64xf32, #tpu.memory_space<hbm>>
      %dma_start3A_300 = tpu.memref_squeeze %dma_start3A_299 : memref<1x200x64xf32, #tpu.memory_space<hbm>> -> memref<200x64xf32, #tpu.memory_space<hbm>>
      %dma_start3A_301 = arith.constant 0 : i32
      %dma_start3A_302 = arith.constant 0 : i32
      %dma_start3A_303 = tpu.memref_slice %arg5[%add3A_296, %dma_start3A_301, %dma_start3A_302] : memref<4096x200x64xf32, #tpu.memory_space<hbm>> -> memref<1x200x64xf32, #tpu.memory_space<hbm>>
      %dma_start3A_304 = tpu.memref_squeeze %dma_start3A_303 : memref<1x200x64xf32, #tpu.memory_space<hbm>> -> memref<200x64xf32, #tpu.memory_space<hbm>>
      tpu.enqueue_dma source(%arg12 : memref<200x64xf32, #tpu.memory_space<vmem>>) target(%dma_start3A_304 : memref<200x64xf32, #tpu.memory_space<hbm>>) target_semaphore(%arg28 : memref<!tpu.dma_semaphore, #tpu.memory_space<semaphore_mem>>)
      %add3A_305 = arith.constant 5 : i32
      %add3A_306 = arith.addi %mul3A_15, %add3A_305 : i32
      %dma_wait3A_307 = arith.constant 0 : i32
      %dma_wait3A_308 = arith.constant 0 : i32
      %dma_wait3A_309 = tpu.memref_slice %arg13[%dma_wait3A_307, %dma_wait3A_308] : memref<200x64xf32, #tpu.memory_space<vmem>> -> memref<104x64xf32, #tpu.memory_space<vmem>>
      %dma_wait3A_310 = arith.constant 1000 : i32
      %dma_wait3A_311 = tpu.memref_slice %arg6[%dma_wait3A_310] : memref<1600xi32, #tpu.memory_space<vmem>> -> memref<104xi32, #tpu.memory_space<vmem>>
      %dma_wait3A_312 = arith.constant 0 : i32
      %dma_wait3A_313 = arith.constant 0 : i32
      %dma_wait3A_314 = tpu.memref_slice %arg3[%dma_wait3A_312, %dma_wait3A_313] : memref<1000000x64xf32, #tpu.memory_space<hbm>> -> memref<1000000x64xf32, #tpu.memory_space<hbm>>
      tpu.wait_indirect_dma semaphore(%arg21 : memref<!tpu.dma_semaphore, #tpu.memory_space<semaphore_mem>>) src(%dma_wait3A_314 : memref<1000000x64xf32, #tpu.memory_space<hbm>>) dst(%dma_wait3A_309 : memref<104x64xf32, #tpu.memory_space<vmem>>)
      %dma_wait3A_315 = arith.constant 104 : i32
      %dma_wait3A_316 = arith.constant 0 : i32
      %dma_wait3A_317 = tpu.memref_slice %arg13[%dma_wait3A_315, %dma_wait3A_316] : memref<200x64xf32, #tpu.memory_space<vmem>> -> memref<96x64xf32, #tpu.memory_space<vmem>>
      %dma_wait3A_318 = arith.constant 1104 : i32
      %dma_wait3A_319 = tpu.memref_slice %arg6[%dma_wait3A_318] : memref<1600xi32, #tpu.memory_space<vmem>> -> memref<96xi32, #tpu.memory_space<vmem>>
      %dma_wait3A_320 = arith.constant 0 : i32
      %dma_wait3A_321 = arith.constant 0 : i32
      %dma_wait3A_322 = tpu.memref_slice %arg3[%dma_wait3A_320, %dma_wait3A_321] : memref<1000000x64xf32, #tpu.memory_space<hbm>> -> memref<1000000x64xf32, #tpu.memory_space<hbm>>
      tpu.wait_indirect_dma semaphore(%arg21 : memref<!tpu.dma_semaphore, #tpu.memory_space<semaphore_mem>>) src(%dma_wait3A_322 : memref<1000000x64xf32, #tpu.memory_space<hbm>>) dst(%dma_wait3A_317 : memref<96x64xf32, #tpu.memory_space<vmem>>)
      %scan3A_323 = arith.constant 0 : i32
      %scan3A_324 = arith.constant 200 : i32
      %scan3A_325 = arith.addi %scan3A_323, %scan3A_324 : i32
      %scan3A_326 = arith.constant 1 : i32
      scf.for %scan3A_465 = %scan3A_323 to %scan3A_325 step %scan3A_326  : i32 {
        %mul3A_466 = arith.constant 1 : i32
        %mul3A_467 = arith.muli %scan3A_465, %mul3A_466 : i32
        %add3A_468 = arith.constant 0 : i32
        %add3A_469 = arith.addi %add3A_468, %mul3A_467 : i32
        %get3A = arith.index_cast %add3A_469 : i32 to index
        %get3A_470 = arith.constant 0 : index
        %get3A_471 = tpu.vector_load %arg13[%get3A, %get3A_470] {strides = array<i32>} : memref<200x64xf32, #tpu.memory_space<vmem>>, vector<1x16xf32>,
        %get3A_472 = vector.shape_cast %get3A_471 : vector<1x16xf32> to vector<16xf32>
        %get3A_473 = arith.index_cast %add3A_469 : i32 to index
        %get3A_474 = arith.constant 0 : index
        %get3A_475 = tpu.vector_load %arg7[%get3A_473, %get3A_474] {strides = array<i32>} : memref<200x64xf32, #tpu.memory_space<vmem>>, vector<1x16xf32>,
        %get3A_476 = vector.shape_cast %get3A_475 : vector<1x16xf32> to vector<16xf32>
        %add3A_477 = arith.addf %get3A_472, %get3A_476 : vector<16xf32>
        %swap3A = arith.index_cast %add3A_469 : i32 to index
        %swap3A_478 = arith.constant 0 : index
        %swap3A_479 = tpu.vector_load %arg13[%swap3A, %swap3A_478] {strides = array<i32>} : memref<200x64xf32, #tpu.memory_space<vmem>>, vector<1x16xf32>,
        %swap3A_480 = vector.shape_cast %swap3A_479 : vector<1x16xf32> to vector<16xf32>
        %swap3A_481 = vector.shape_cast %add3A_477 : vector<16xf32> to vector<1x16xf32>
        tpu.vector_store %arg13[%swap3A, %swap3A_478], %swap3A_481 {strides = array<i32>} : memref<200x64xf32, #tpu.memory_space<vmem>>, vector<1x16xf32>,
        %get3A_482 = arith.index_cast %add3A_469 : i32 to index
        %get3A_483 = arith.constant 16 : index
        %get3A_484 = tpu.vector_load %arg13[%get3A_482, %get3A_483] {strides = array<i32>} : memref<200x64xf32, #tpu.memory_space<vmem>>, vector<1x16xf32>,
        %get3A_485 = vector.shape_cast %get3A_484 : vector<1x16xf32> to vector<16xf32>
        %get3A_486 = arith.index_cast %add3A_469 : i32 to index
        %get3A_487 = arith.constant 16 : index
        %get3A_488 = tpu.vector_load %arg7[%get3A_486, %get3A_487] {strides = array<i32>} : memref<200x64xf32, #tpu.memory_space<vmem>>, vector<1x16xf32>,
        %get3A_489 = vector.shape_cast %get3A_488 : vector<1x16xf32> to vector<16xf32>
        %add3A_490 = arith.addf %get3A_485, %get3A_489 : vector<16xf32>
        %swap3A_491 = arith.index_cast %add3A_469 : i32 to index
        %swap3A_492 = arith.constant 16 : index
        %swap3A_493 = tpu.vector_load %arg13[%swap3A_491, %swap3A_492] {strides = array<i32>} : memref<200x64xf32, #tpu.memory_space<vmem>>, vector<1x16xf32>,
        %swap3A_494 = vector.shape_cast %swap3A_493 : vector<1x16xf32> to vector<16xf32>
        %swap3A_495 = vector.shape_cast %add3A_490 : vector<16xf32> to vector<1x16xf32>
        tpu.vector_store %arg13[%swap3A_491, %swap3A_492], %swap3A_495 {strides = array<i32>} : memref<200x64xf32, #tpu.memory_space<vmem>>, vector<1x16xf32>,
        %get3A_496 = arith.index_cast %add3A_469 : i32 to index
        %get3A_497 = arith.constant 32 : index
        %get3A_498 = tpu.vector_load %arg13[%get3A_496, %get3A_497] {strides = array<i32>} : memref<200x64xf32, #tpu.memory_space<vmem>>, vector<1x16xf32>,
        %get3A_499 = vector.shape_cast %get3A_498 : vector<1x16xf32> to vector<16xf32>
        %get3A_500 = arith.index_cast %add3A_469 : i32 to index
        %get3A_501 = arith.constant 32 : index
        %get3A_502 = tpu.vector_load %arg7[%get3A_500, %get3A_501] {strides = array<i32>} : memref<200x64xf32, #tpu.memory_space<vmem>>, vector<1x16xf32>,
        %get3A_503 = vector.shape_cast %get3A_502 : vector<1x16xf32> to vector<16xf32>
        %add3A_504 = arith.addf %get3A_499, %get3A_503 : vector<16xf32>
        %swap3A_505 = arith.index_cast %add3A_469 : i32 to index
        %swap3A_506 = arith.constant 32 : index
        %swap3A_507 = tpu.vector_load %arg13[%swap3A_505, %swap3A_506] {strides = array<i32>} : memref<200x64xf32, #tpu.memory_space<vmem>>, vector<1x16xf32>,
        %swap3A_508 = vector.shape_cast %swap3A_507 : vector<1x16xf32> to vector<16xf32>
        %swap3A_509 = vector.shape_cast %add3A_504 : vector<16xf32> to vector<1x16xf32>
        tpu.vector_store %arg13[%swap3A_505, %swap3A_506], %swap3A_509 {strides = array<i32>} : memref<200x64xf32, #tpu.memory_space<vmem>>, vector<1x16xf32>,
        %get3A_510 = arith.index_cast %add3A_469 : i32 to index
        %get3A_511 = arith.constant 48 : index
        %get3A_512 = tpu.vector_load %arg13[%get3A_510, %get3A_511] {strides = array<i32>} : memref<200x64xf32, #tpu.memory_space<vmem>>, vector<1x16xf32>,
        %get3A_513 = vector.shape_cast %get3A_512 : vector<1x16xf32> to vector<16xf32>
        %get3A_514 = arith.index_cast %add3A_469 : i32 to index
        %get3A_515 = arith.constant 48 : index
        %get3A_516 = tpu.vector_load %arg7[%get3A_514, %get3A_515] {strides = array<i32>} : memref<200x64xf32, #tpu.memory_space<vmem>>, vector<1x16xf32>,
        %get3A_517 = vector.shape_cast %get3A_516 : vector<1x16xf32> to vector<16xf32>
        %add3A_518 = arith.addf %get3A_513, %get3A_517 : vector<16xf32>
        %swap3A_519 = arith.index_cast %add3A_469 : i32 to index
        %swap3A_520 = arith.constant 48 : index
        %swap3A_521 = tpu.vector_load %arg13[%swap3A_519, %swap3A_520] {strides = array<i32>} : memref<200x64xf32, #tpu.memory_space<vmem>>, vector<1x16xf32>,
        %swap3A_522 = vector.shape_cast %swap3A_521 : vector<1x16xf32> to vector<16xf32>
        %swap3A_523 = vector.shape_cast %add3A_518 : vector<16xf32> to vector<1x16xf32>
        tpu.vector_store %arg13[%swap3A_519, %swap3A_520], %swap3A_523 {strides = array<i32>} : memref<200x64xf32, #tpu.memory_space<vmem>>, vector<1x16xf32>,
      }
      %scan3A_327 = arith.constant 200 : i32
      %add3A_328 = arith.addi %mul3A_4, %add3A_306 : i32
      %dma_start3A_329 = arith.constant 0 : i32
      %dma_start3A_330 = arith.constant 0 : i32
      %dma_start3A_331 = tpu.memref_slice %arg5[%add3A_328, %dma_start3A_329, %dma_start3A_330] : memref<4096x200x64xf32, #tpu.memory_space<hbm>> -> memref<1x200x64xf32, #tpu.memory_space<hbm>>
      %dma_start3A_332 = tpu.memref_squeeze %dma_start3A_331 : memref<1x200x64xf32, #tpu.memory_space<hbm>> -> memref<200x64xf32, #tpu.memory_space<hbm>>
      %dma_start3A_333 = arith.constant 0 : i32
      %dma_start3A_334 = arith.constant 0 : i32
      %dma_start3A_335 = tpu.memref_slice %arg5[%add3A_328, %dma_start3A_333, %dma_start3A_334] : memref<4096x200x64xf32, #tpu.memory_space<hbm>> -> memref<1x200x64xf32, #tpu.memory_space<hbm>>
      %dma_start3A_336 = tpu.memref_squeeze %dma_start3A_335 : memref<1x200x64xf32, #tpu.memory_space<hbm>> -> memref<200x64xf32, #tpu.memory_space<hbm>>
      tpu.enqueue_dma source(%arg13 : memref<200x64xf32, #tpu.memory_space<vmem>>) target(%dma_start3A_336 : memref<200x64xf32, #tpu.memory_space<hbm>>) target_semaphore(%arg29 : memref<!tpu.dma_semaphore, #tpu.memory_space<semaphore_mem>>)
      %add3A_337 = arith.constant 6 : i32
      %add3A_338 = arith.addi %mul3A_15, %add3A_337 : i32
      %dma_wait3A_339 = arith.constant 0 : i32
      %dma_wait3A_340 = arith.constant 0 : i32
      %dma_wait3A_341 = tpu.memref_slice %arg14[%dma_wait3A_339, %dma_wait3A_340] : memref<200x64xf32, #tpu.memory_space<vmem>> -> memref<104x64xf32, #tpu.memory_space<vmem>>
      %dma_wait3A_342 = arith.constant 1200 : i32
      %dma_wait3A_343 = tpu.memref_slice %arg6[%dma_wait3A_342] : memref<1600xi32, #tpu.memory_space<vmem>> -> memref<104xi32, #tpu.memory_space<vmem>>
      %dma_wait3A_344 = arith.constant 0 : i32
      %dma_wait3A_345 = arith.constant 0 : i32
      %dma_wait3A_346 = tpu.memref_slice %arg3[%dma_wait3A_344, %dma_wait3A_345] : memref<1000000x64xf32, #tpu.memory_space<hbm>> -> memref<1000000x64xf32, #tpu.memory_space<hbm>>
      tpu.wait_indirect_dma semaphore(%arg22 : memref<!tpu.dma_semaphore, #tpu.memory_space<semaphore_mem>>) src(%dma_wait3A_346 : memref<1000000x64xf32, #tpu.memory_space<hbm>>) dst(%dma_wait3A_341 : memref<104x64xf32, #tpu.memory_space<vmem>>)
      %dma_wait3A_347 = arith.constant 104 : i32
      %dma_wait3A_348 = arith.constant 0 : i32
      %dma_wait3A_349 = tpu.memref_slice %arg14[%dma_wait3A_347, %dma_wait3A_348] : memref<200x64xf32, #tpu.memory_space<vmem>> -> memref<96x64xf32, #tpu.memory_space<vmem>>
      %dma_wait3A_350 = arith.constant 1304 : i32
      %dma_wait3A_351 = tpu.memref_slice %arg6[%dma_wait3A_350] : memref<1600xi32, #tpu.memory_space<vmem>> -> memref<96xi32, #tpu.memory_space<vmem>>
      %dma_wait3A_352 = arith.constant 0 : i32
      %dma_wait3A_353 = arith.constant 0 : i32
      %dma_wait3A_354 = tpu.memref_slice %arg3[%dma_wait3A_352, %dma_wait3A_353] : memref<1000000x64xf32, #tpu.memory_space<hbm>> -> memref<1000000x64xf32, #tpu.memory_space<hbm>>
      tpu.wait_indirect_dma semaphore(%arg22 : memref<!tpu.dma_semaphore, #tpu.memory_space<semaphore_mem>>) src(%dma_wait3A_354 : memref<1000000x64xf32, #tpu.memory_space<hbm>>) dst(%dma_wait3A_349 : memref<96x64xf32, #tpu.memory_space<vmem>>)
      %scan3A_355 = arith.constant 0 : i32
      %scan3A_356 = arith.constant 200 : i32
      %scan3A_357 = arith.addi %scan3A_355, %scan3A_356 : i32
      %scan3A_358 = arith.constant 1 : i32
      scf.for %scan3A_465 = %scan3A_355 to %scan3A_357 step %scan3A_358  : i32 {
        %mul3A_466 = arith.constant 1 : i32
        %mul3A_467 = arith.muli %scan3A_465, %mul3A_466 : i32
        %add3A_468 = arith.constant 0 : i32
        %add3A_469 = arith.addi %add3A_468, %mul3A_467 : i32
        %get3A = arith.index_cast %add3A_469 : i32 to index
        %get3A_470 = arith.constant 0 : index
        %get3A_471 = tpu.vector_load %arg14[%get3A, %get3A_470] {strides = array<i32>} : memref<200x64xf32, #tpu.memory_space<vmem>>, vector<1x16xf32>,
        %get3A_472 = vector.shape_cast %get3A_471 : vector<1x16xf32> to vector<16xf32>
        %get3A_473 = arith.index_cast %add3A_469 : i32 to index
        %get3A_474 = arith.constant 0 : index
        %get3A_475 = tpu.vector_load %arg7[%get3A_473, %get3A_474] {strides = array<i32>} : memref<200x64xf32, #tpu.memory_space<vmem>>, vector<1x16xf32>,
        %get3A_476 = vector.shape_cast %get3A_475 : vector<1x16xf32> to vector<16xf32>
        %add3A_477 = arith.addf %get3A_472, %get3A_476 : vector<16xf32>
        %swap3A = arith.index_cast %add3A_469 : i32 to index
        %swap3A_478 = arith.constant 0 : index
        %swap3A_479 = tpu.vector_load %arg14[%swap3A, %swap3A_478] {strides = array<i32>} : memref<200x64xf32, #tpu.memory_space<vmem>>, vector<1x16xf32>,
        %swap3A_480 = vector.shape_cast %swap3A_479 : vector<1x16xf32> to vector<16xf32>
        %swap3A_481 = vector.shape_cast %add3A_477 : vector<16xf32> to vector<1x16xf32>
        tpu.vector_store %arg14[%swap3A, %swap3A_478], %swap3A_481 {strides = array<i32>} : memref<200x64xf32, #tpu.memory_space<vmem>>, vector<1x16xf32>,
        %get3A_482 = arith.index_cast %add3A_469 : i32 to index
        %get3A_483 = arith.constant 16 : index
        %get3A_484 = tpu.vector_load %arg14[%get3A_482, %get3A_483] {strides = array<i32>} : memref<200x64xf32, #tpu.memory_space<vmem>>, vector<1x16xf32>,
        %get3A_485 = vector.shape_cast %get3A_484 : vector<1x16xf32> to vector<16xf32>
        %get3A_486 = arith.index_cast %add3A_469 : i32 to index
        %get3A_487 = arith.constant 16 : index
        %get3A_488 = tpu.vector_load %arg7[%get3A_486, %get3A_487] {strides = array<i32>} : memref<200x64xf32, #tpu.memory_space<vmem>>, vector<1x16xf32>,
        %get3A_489 = vector.shape_cast %get3A_488 : vector<1x16xf32> to vector<16xf32>
        %add3A_490 = arith.addf %get3A_485, %get3A_489 : vector<16xf32>
        %swap3A_491 = arith.index_cast %add3A_469 : i32 to index
        %swap3A_492 = arith.constant 16 : index
        %swap3A_493 = tpu.vector_load %arg14[%swap3A_491, %swap3A_492] {strides = array<i32>} : memref<200x64xf32, #tpu.memory_space<vmem>>, vector<1x16xf32>,
        %swap3A_494 = vector.shape_cast %swap3A_493 : vector<1x16xf32> to vector<16xf32>
        %swap3A_495 = vector.shape_cast %add3A_490 : vector<16xf32> to vector<1x16xf32>
        tpu.vector_store %arg14[%swap3A_491, %swap3A_492], %swap3A_495 {strides = array<i32>} : memref<200x64xf32, #tpu.memory_space<vmem>>, vector<1x16xf32>,
        %get3A_496 = arith.index_cast %add3A_469 : i32 to index
        %get3A_497 = arith.constant 32 : index
        %get3A_498 = tpu.vector_load %arg14[%get3A_496, %get3A_497] {strides = array<i32>} : memref<200x64xf32, #tpu.memory_space<vmem>>, vector<1x16xf32>,
        %get3A_499 = vector.shape_cast %get3A_498 : vector<1x16xf32> to vector<16xf32>
        %get3A_500 = arith.index_cast %add3A_469 : i32 to index
        %get3A_501 = arith.constant 32 : index
        %get3A_502 = tpu.vector_load %arg7[%get3A_500, %get3A_501] {strides = array<i32>} : memref<200x64xf32, #tpu.memory_space<vmem>>, vector<1x16xf32>,
        %get3A_503 = vector.shape_cast %get3A_502 : vector<1x16xf32> to vector<16xf32>
        %add3A_504 = arith.addf %get3A_499, %get3A_503 : vector<16xf32>
        %swap3A_505 = arith.index_cast %add3A_469 : i32 to index
        %swap3A_506 = arith.constant 32 : index
        %swap3A_507 = tpu.vector_load %arg14[%swap3A_505, %swap3A_506] {strides = array<i32>} : memref<200x64xf32, #tpu.memory_space<vmem>>, vector<1x16xf32>,
        %swap3A_508 = vector.shape_cast %swap3A_507 : vector<1x16xf32> to vector<16xf32>
        %swap3A_509 = vector.shape_cast %add3A_504 : vector<16xf32> to vector<1x16xf32>
        tpu.vector_store %arg14[%swap3A_505, %swap3A_506], %swap3A_509 {strides = array<i32>} : memref<200x64xf32, #tpu.memory_space<vmem>>, vector<1x16xf32>,
        %get3A_510 = arith.index_cast %add3A_469 : i32 to index
        %get3A_511 = arith.constant 48 : index
        %get3A_512 = tpu.vector_load %arg14[%get3A_510, %get3A_511] {strides = array<i32>} : memref<200x64xf32, #tpu.memory_space<vmem>>, vector<1x16xf32>,
        %get3A_513 = vector.shape_cast %get3A_512 : vector<1x16xf32> to vector<16xf32>
        %get3A_514 = arith.index_cast %add3A_469 : i32 to index
        %get3A_515 = arith.constant 48 : index
        %get3A_516 = tpu.vector_load %arg7[%get3A_514, %get3A_515] {strides = array<i32>} : memref<200x64xf32, #tpu.memory_space<vmem>>, vector<1x16xf32>,
        %get3A_517 = vector.shape_cast %get3A_516 : vector<1x16xf32> to vector<16xf32>
        %add3A_518 = arith.addf %get3A_513, %get3A_517 : vector<16xf32>
        %swap3A_519 = arith.index_cast %add3A_469 : i32 to index
        %swap3A_520 = arith.constant 48 : index
        %swap3A_521 = tpu.vector_load %arg14[%swap3A_519, %swap3A_520] {strides = array<i32>} : memref<200x64xf32, #tpu.memory_space<vmem>>, vector<1x16xf32>,
        %swap3A_522 = vector.shape_cast %swap3A_521 : vector<1x16xf32> to vector<16xf32>
        %swap3A_523 = vector.shape_cast %add3A_518 : vector<16xf32> to vector<1x16xf32>
        tpu.vector_store %arg14[%swap3A_519, %swap3A_520], %swap3A_523 {strides = array<i32>} : memref<200x64xf32, #tpu.memory_space<vmem>>, vector<1x16xf32>,
      }
      %scan3A_359 = arith.constant 200 : i32
      %add3A_360 = arith.addi %mul3A_4, %add3A_338 : i32
      %dma_start3A_361 = arith.constant 0 : i32
      %dma_start3A_362 = arith.constant 0 : i32
      %dma_start3A_363 = tpu.memref_slice %arg5[%add3A_360, %dma_start3A_361, %dma_start3A_362] : memref<4096x200x64xf32, #tpu.memory_space<hbm>> -> memref<1x200x64xf32, #tpu.memory_space<hbm>>
      %dma_start3A_364 = tpu.memref_squeeze %dma_start3A_363 : memref<1x200x64xf32, #tpu.memory_space<hbm>> -> memref<200x64xf32, #tpu.memory_space<hbm>>
      %dma_start3A_365 = arith.constant 0 : i32
      %dma_start3A_366 = arith.constant 0 : i32
      %dma_start3A_367 = tpu.memref_slice %arg5[%add3A_360, %dma_start3A_365, %dma_start3A_366] : memref<4096x200x64xf32, #tpu.memory_space<hbm>> -> memref<1x200x64xf32, #tpu.memory_space<hbm>>
      %dma_start3A_368 = tpu.memref_squeeze %dma_start3A_367 : memref<1x200x64xf32, #tpu.memory_space<hbm>> -> memref<200x64xf32, #tpu.memory_space<hbm>>
      tpu.enqueue_dma source(%arg14 : memref<200x64xf32, #tpu.memory_space<vmem>>) target(%dma_start3A_368 : memref<200x64xf32, #tpu.memory_space<hbm>>) target_semaphore(%arg30 : memref<!tpu.dma_semaphore, #tpu.memory_space<semaphore_mem>>)
      %add3A_369 = arith.constant 7 : i32
      %add3A_370 = arith.addi %mul3A_15, %add3A_369 : i32
      %dma_wait3A_371 = arith.constant 0 : i32
      %dma_wait3A_372 = arith.constant 0 : i32
      %dma_wait3A_373 = tpu.memref_slice %arg15[%dma_wait3A_371, %dma_wait3A_372] : memref<200x64xf32, #tpu.memory_space<vmem>> -> memref<104x64xf32, #tpu.memory_space<vmem>>
      %dma_wait3A_374 = arith.constant 1400 : i32
      %dma_wait3A_375 = tpu.memref_slice %arg6[%dma_wait3A_374] : memref<1600xi32, #tpu.memory_space<vmem>> -> memref<104xi32, #tpu.memory_space<vmem>>
      %dma_wait3A_376 = arith.constant 0 : i32
      %dma_wait3A_377 = arith.constant 0 : i32
      %dma_wait3A_378 = tpu.memref_slice %arg3[%dma_wait3A_376, %dma_wait3A_377] : memref<1000000x64xf32, #tpu.memory_space<hbm>> -> memref<1000000x64xf32, #tpu.memory_space<hbm>>
      tpu.wait_indirect_dma semaphore(%arg23 : memref<!tpu.dma_semaphore, #tpu.memory_space<semaphore_mem>>) src(%dma_wait3A_378 : memref<1000000x64xf32, #tpu.memory_space<hbm>>) dst(%dma_wait3A_373 : memref<104x64xf32, #tpu.memory_space<vmem>>)
      %dma_wait3A_379 = arith.constant 104 : i32
      %dma_wait3A_380 = arith.constant 0 : i32
      %dma_wait3A_381 = tpu.memref_slice %arg15[%dma_wait3A_379, %dma_wait3A_380] : memref<200x64xf32, #tpu.memory_space<vmem>> -> memref<96x64xf32, #tpu.memory_space<vmem>>
      %dma_wait3A_382 = arith.constant 1504 : i32
      %dma_wait3A_383 = tpu.memref_slice %arg6[%dma_wait3A_382] : memref<1600xi32, #tpu.memory_space<vmem>> -> memref<96xi32, #tpu.memory_space<vmem>>
      %dma_wait3A_384 = arith.constant 0 : i32
      %dma_wait3A_385 = arith.constant 0 : i32
      %dma_wait3A_386 = tpu.memref_slice %arg3[%dma_wait3A_384, %dma_wait3A_385] : memref<1000000x64xf32, #tpu.memory_space<hbm>> -> memref<1000000x64xf32, #tpu.memory_space<hbm>>
      tpu.wait_indirect_dma semaphore(%arg23 : memref<!tpu.dma_semaphore, #tpu.memory_space<semaphore_mem>>) src(%dma_wait3A_386 : memref<1000000x64xf32, #tpu.memory_space<hbm>>) dst(%dma_wait3A_381 : memref<96x64xf32, #tpu.memory_space<vmem>>)
      %scan3A_387 = arith.constant 0 : i32
      %scan3A_388 = arith.constant 200 : i32
      %scan3A_389 = arith.addi %scan3A_387, %scan3A_388 : i32
      %scan3A_390 = arith.constant 1 : i32
      scf.for %scan3A_465 = %scan3A_387 to %scan3A_389 step %scan3A_390  : i32 {
        %mul3A_466 = arith.constant 1 : i32
        %mul3A_467 = arith.muli %scan3A_465, %mul3A_466 : i32
        %add3A_468 = arith.constant 0 : i32
        %add3A_469 = arith.addi %add3A_468, %mul3A_467 : i32
        %get3A = arith.index_cast %add3A_469 : i32 to index
        %get3A_470 = arith.constant 0 : index
        %get3A_471 = tpu.vector_load %arg15[%get3A, %get3A_470] {strides = array<i32>} : memref<200x64xf32, #tpu.memory_space<vmem>>, vector<1x16xf32>,
        %get3A_472 = vector.shape_cast %get3A_471 : vector<1x16xf32> to vector<16xf32>
        %get3A_473 = arith.index_cast %add3A_469 : i32 to index
        %get3A_474 = arith.constant 0 : index
        %get3A_475 = tpu.vector_load %arg7[%get3A_473, %get3A_474] {strides = array<i32>} : memref<200x64xf32, #tpu.memory_space<vmem>>, vector<1x16xf32>,
        %get3A_476 = vector.shape_cast %get3A_475 : vector<1x16xf32> to vector<16xf32>
        %add3A_477 = arith.addf %get3A_472, %get3A_476 : vector<16xf32>
        %swap3A = arith.index_cast %add3A_469 : i32 to index
        %swap3A_478 = arith.constant 0 : index
        %swap3A_479 = tpu.vector_load %arg15[%swap3A, %swap3A_478] {strides = array<i32>} : memref<200x64xf32, #tpu.memory_space<vmem>>, vector<1x16xf32>,
        %swap3A_480 = vector.shape_cast %swap3A_479 : vector<1x16xf32> to vector<16xf32>
        %swap3A_481 = vector.shape_cast %add3A_477 : vector<16xf32> to vector<1x16xf32>
        tpu.vector_store %arg15[%swap3A, %swap3A_478], %swap3A_481 {strides = array<i32>} : memref<200x64xf32, #tpu.memory_space<vmem>>, vector<1x16xf32>,
        %get3A_482 = arith.index_cast %add3A_469 : i32 to index
        %get3A_483 = arith.constant 16 : index
        %get3A_484 = tpu.vector_load %arg15[%get3A_482, %get3A_483] {strides = array<i32>} : memref<200x64xf32, #tpu.memory_space<vmem>>, vector<1x16xf32>,
        %get3A_485 = vector.shape_cast %get3A_484 : vector<1x16xf32> to vector<16xf32>
        %get3A_486 = arith.index_cast %add3A_469 : i32 to index
        %get3A_487 = arith.constant 16 : index
        %get3A_488 = tpu.vector_load %arg7[%get3A_486, %get3A_487] {strides = array<i32>} : memref<200x64xf32, #tpu.memory_space<vmem>>, vector<1x16xf32>,
        %get3A_489 = vector.shape_cast %get3A_488 : vector<1x16xf32> to vector<16xf32>
        %add3A_490 = arith.addf %get3A_485, %get3A_489 : vector<16xf32>
        %swap3A_491 = arith.index_cast %add3A_469 : i32 to index
        %swap3A_492 = arith.constant 16 : index
        %swap3A_493 = tpu.vector_load %arg15[%swap3A_491, %swap3A_492] {strides = array<i32>} : memref<200x64xf32, #tpu.memory_space<vmem>>, vector<1x16xf32>,
        %swap3A_494 = vector.shape_cast %swap3A_493 : vector<1x16xf32> to vector<16xf32>
        %swap3A_495 = vector.shape_cast %add3A_490 : vector<16xf32> to vector<1x16xf32>
        tpu.vector_store %arg15[%swap3A_491, %swap3A_492], %swap3A_495 {strides = array<i32>} : memref<200x64xf32, #tpu.memory_space<vmem>>, vector<1x16xf32>,
        %get3A_496 = arith.index_cast %add3A_469 : i32 to index
        %get3A_497 = arith.constant 32 : index
        %get3A_498 = tpu.vector_load %arg15[%get3A_496, %get3A_497] {strides = array<i32>} : memref<200x64xf32, #tpu.memory_space<vmem>>, vector<1x16xf32>,
        %get3A_499 = vector.shape_cast %get3A_498 : vector<1x16xf32> to vector<16xf32>
        %get3A_500 = arith.index_cast %add3A_469 : i32 to index
        %get3A_501 = arith.constant 32 : index
        %get3A_502 = tpu.vector_load %arg7[%get3A_500, %get3A_501] {strides = array<i32>} : memref<200x64xf32, #tpu.memory_space<vmem>>, vector<1x16xf32>,
        %get3A_503 = vector.shape_cast %get3A_502 : vector<1x16xf32> to vector<16xf32>
        %add3A_504 = arith.addf %get3A_499, %get3A_503 : vector<16xf32>
        %swap3A_505 = arith.index_cast %add3A_469 : i32 to index
        %swap3A_506 = arith.constant 32 : index
        %swap3A_507 = tpu.vector_load %arg15[%swap3A_505, %swap3A_506] {strides = array<i32>} : memref<200x64xf32, #tpu.memory_space<vmem>>, vector<1x16xf32>,
        %swap3A_508 = vector.shape_cast %swap3A_507 : vector<1x16xf32> to vector<16xf32>
        %swap3A_509 = vector.shape_cast %add3A_504 : vector<16xf32> to vector<1x16xf32>
        tpu.vector_store %arg15[%swap3A_505, %swap3A_506], %swap3A_509 {strides = array<i32>} : memref<200x64xf32, #tpu.memory_space<vmem>>, vector<1x16xf32>,
        %get3A_510 = arith.index_cast %add3A_469 : i32 to index
        %get3A_511 = arith.constant 48 : index
        %get3A_512 = tpu.vector_load %arg15[%get3A_510, %get3A_511] {strides = array<i32>} : memref<200x64xf32, #tpu.memory_space<vmem>>, vector<1x16xf32>,
        %get3A_513 = vector.shape_cast %get3A_512 : vector<1x16xf32> to vector<16xf32>
        %get3A_514 = arith.index_cast %add3A_469 : i32 to index
        %get3A_515 = arith.constant 48 : index
        %get3A_516 = tpu.vector_load %arg7[%get3A_514, %get3A_515] {strides = array<i32>} : memref<200x64xf32, #tpu.memory_space<vmem>>, vector<1x16xf32>,
        %get3A_517 = vector.shape_cast %get3A_516 : vector<1x16xf32> to vector<16xf32>
        %add3A_518 = arith.addf %get3A_513, %get3A_517 : vector<16xf32>
        %swap3A_519 = arith.index_cast %add3A_469 : i32 to index
        %swap3A_520 = arith.constant 48 : index
        %swap3A_521 = tpu.vector_load %arg15[%swap3A_519, %swap3A_520] {strides = array<i32>} : memref<200x64xf32, #tpu.memory_space<vmem>>, vector<1x16xf32>,
        %swap3A_522 = vector.shape_cast %swap3A_521 : vector<1x16xf32> to vector<16xf32>
        %swap3A_523 = vector.shape_cast %add3A_518 : vector<16xf32> to vector<1x16xf32>
        tpu.vector_store %arg15[%swap3A_519, %swap3A_520], %swap3A_523 {strides = array<i32>} : memref<200x64xf32, #tpu.memory_space<vmem>>, vector<1x16xf32>,
      }
      %scan3A_391 = arith.constant 200 : i32
      %add3A_392 = arith.addi %mul3A_4, %add3A_370 : i32
      %dma_start3A_393 = arith.constant 0 : i32
      %dma_start3A_394 = arith.constant 0 : i32
      %dma_start3A_395 = tpu.memref_slice %arg5[%add3A_392, %dma_start3A_393, %dma_start3A_394] : memref<4096x200x64xf32, #tpu.memory_space<hbm>> -> memref<1x200x64xf32, #tpu.memory_space<hbm>>
      %dma_start3A_396 = tpu.memref_squeeze %dma_start3A_395 : memref<1x200x64xf32, #tpu.memory_space<hbm>> -> memref<200x64xf32, #tpu.memory_space<hbm>>
      %dma_start3A_397 = arith.constant 0 : i32
      %dma_start3A_398 = arith.constant 0 : i32
      %dma_start3A_399 = tpu.memref_slice %arg5[%add3A_392, %dma_start3A_397, %dma_start3A_398] : memref<4096x200x64xf32, #tpu.memory_space<hbm>> -> memref<1x200x64xf32, #tpu.memory_space<hbm>>
      %dma_start3A_400 = tpu.memref_squeeze %dma_start3A_399 : memref<1x200x64xf32, #tpu.memory_space<hbm>> -> memref<200x64xf32, #tpu.memory_space<hbm>>
      tpu.enqueue_dma source(%arg15 : memref<200x64xf32, #tpu.memory_space<vmem>>) target(%dma_start3A_400 : memref<200x64xf32, #tpu.memory_space<hbm>>) target_semaphore(%arg31 : memref<!tpu.dma_semaphore, #tpu.memory_space<semaphore_mem>>)
      %dma_wait3A_401 = arith.constant 0 : i32
      %dma_wait3A_402 = arith.constant 0 : i32
      %dma_wait3A_403 = tpu.memref_slice %arg5[%add3A_168, %dma_wait3A_401, %dma_wait3A_402] : memref<4096x200x64xf32, #tpu.memory_space<hbm>> -> memref<1x200x64xf32, #tpu.memory_space<hbm>>
      %dma_wait3A_404 = tpu.memref_squeeze %dma_wait3A_403 : memref<1x200x64xf32, #tpu.memory_space<hbm>> -> memref<200x64xf32, #tpu.memory_space<hbm>>
      %dma_wait3A_405 = arith.constant 0 : i32
      %dma_wait3A_406 = arith.constant 0 : i32
      %dma_wait3A_407 = tpu.memref_slice %arg5[%add3A_168, %dma_wait3A_405, %dma_wait3A_406] : memref<4096x200x64xf32, #tpu.memory_space<hbm>> -> memref<1x200x64xf32, #tpu.memory_space<hbm>>
      %dma_wait3A_408 = tpu.memref_squeeze %dma_wait3A_407 : memref<1x200x64xf32, #tpu.memory_space<hbm>> -> memref<200x64xf32, #tpu.memory_space<hbm>>
      tpu.wait_dma2 semaphore(%arg24 : memref<!tpu.dma_semaphore, #tpu.memory_space<semaphore_mem>>) src(%arg8 : memref<200x64xf32, #tpu.memory_space<vmem>>) dst(%dma_wait3A_408 : memref<200x64xf32, #tpu.memory_space<hbm>>)
      %dma_wait3A_409 = arith.constant 0 : i32
      %dma_wait3A_410 = arith.constant 0 : i32
      %dma_wait3A_411 = tpu.memref_slice %arg5[%add3A_200, %dma_wait3A_409, %dma_wait3A_410] : memref<4096x200x64xf32, #tpu.memory_space<hbm>> -> memref<1x200x64xf32, #tpu.memory_space<hbm>>
      %dma_wait3A_412 = tpu.memref_squeeze %dma_wait3A_411 : memref<1x200x64xf32, #tpu.memory_space<hbm>> -> memref<200x64xf32, #tpu.memory_space<hbm>>
      %dma_wait3A_413 = arith.constant 0 : i32
      %dma_wait3A_414 = arith.constant 0 : i32
      %dma_wait3A_415 = tpu.memref_slice %arg5[%add3A_200, %dma_wait3A_413, %dma_wait3A_414] : memref<4096x200x64xf32, #tpu.memory_space<hbm>> -> memref<1x200x64xf32, #tpu.memory_space<hbm>>
      %dma_wait3A_416 = tpu.memref_squeeze %dma_wait3A_415 : memref<1x200x64xf32, #tpu.memory_space<hbm>> -> memref<200x64xf32, #tpu.memory_space<hbm>>
      tpu.wait_dma2 semaphore(%arg25 : memref<!tpu.dma_semaphore, #tpu.memory_space<semaphore_mem>>) src(%arg9 : memref<200x64xf32, #tpu.memory_space<vmem>>) dst(%dma_wait3A_416 : memref<200x64xf32, #tpu.memory_space<hbm>>)
      %dma_wait3A_417 = arith.constant 0 : i32
      %dma_wait3A_418 = arith.constant 0 : i32
      %dma_wait3A_419 = tpu.memref_slice %arg5[%add3A_232, %dma_wait3A_417, %dma_wait3A_418] : memref<4096x200x64xf32, #tpu.memory_space<hbm>> -> memref<1x200x64xf32, #tpu.memory_space<hbm>>
      %dma_wait3A_420 = tpu.memref_squeeze %dma_wait3A_419 : memref<1x200x64xf32, #tpu.memory_space<hbm>> -> memref<200x64xf32, #tpu.memory_space<hbm>>
      %dma_wait3A_421 = arith.constant 0 : i32
      %dma_wait3A_422 = arith.constant 0 : i32
      %dma_wait3A_423 = tpu.memref_slice %arg5[%add3A_232, %dma_wait3A_421, %dma_wait3A_422] : memref<4096x200x64xf32, #tpu.memory_space<hbm>> -> memref<1x200x64xf32, #tpu.memory_space<hbm>>
      %dma_wait3A_424 = tpu.memref_squeeze %dma_wait3A_423 : memref<1x200x64xf32, #tpu.memory_space<hbm>> -> memref<200x64xf32, #tpu.memory_space<hbm>>
      tpu.wait_dma2 semaphore(%arg26 : memref<!tpu.dma_semaphore, #tpu.memory_space<semaphore_mem>>) src(%arg10 : memref<200x64xf32, #tpu.memory_space<vmem>>) dst(%dma_wait3A_424 : memref<200x64xf32, #tpu.memory_space<hbm>>)
      %dma_wait3A_425 = arith.constant 0 : i32
      %dma_wait3A_426 = arith.constant 0 : i32
      %dma_wait3A_427 = tpu.memref_slice %arg5[%add3A_264, %dma_wait3A_425, %dma_wait3A_426] : memref<4096x200x64xf32, #tpu.memory_space<hbm>> -> memref<1x200x64xf32, #tpu.memory_space<hbm>>
      %dma_wait3A_428 = tpu.memref_squeeze %dma_wait3A_427 : memref<1x200x64xf32, #tpu.memory_space<hbm>> -> memref<200x64xf32, #tpu.memory_space<hbm>>
      %dma_wait3A_429 = arith.constant 0 : i32
      %dma_wait3A_430 = arith.constant 0 : i32
      %dma_wait3A_431 = tpu.memref_slice %arg5[%add3A_264, %dma_wait3A_429, %dma_wait3A_430] : memref<4096x200x64xf32, #tpu.memory_space<hbm>> -> memref<1x200x64xf32, #tpu.memory_space<hbm>>
      %dma_wait3A_432 = tpu.memref_squeeze %dma_wait3A_431 : memref<1x200x64xf32, #tpu.memory_space<hbm>> -> memref<200x64xf32, #tpu.memory_space<hbm>>
      tpu.wait_dma2 semaphore(%arg27 : memref<!tpu.dma_semaphore, #tpu.memory_space<semaphore_mem>>) src(%arg11 : memref<200x64xf32, #tpu.memory_space<vmem>>) dst(%dma_wait3A_432 : memref<200x64xf32, #tpu.memory_space<hbm>>)
      %dma_wait3A_433 = arith.constant 0 : i32
      %dma_wait3A_434 = arith.constant 0 : i32
      %dma_wait3A_435 = tpu.memref_slice %arg5[%add3A_296, %dma_wait3A_433, %dma_wait3A_434] : memref<4096x200x64xf32, #tpu.memory_space<hbm>> -> memref<1x200x64xf32, #tpu.memory_space<hbm>>
      %dma_wait3A_436 = tpu.memref_squeeze %dma_wait3A_435 : memref<1x200x64xf32, #tpu.memory_space<hbm>> -> memref<200x64xf32, #tpu.memory_space<hbm>>
      %dma_wait3A_437 = arith.constant 0 : i32
      %dma_wait3A_438 = arith.constant 0 : i32
      %dma_wait3A_439 = tpu.memref_slice %arg5[%add3A_296, %dma_wait3A_437, %dma_wait3A_438] : memref<4096x200x64xf32, #tpu.memory_space<hbm>> -> memref<1x200x64xf32, #tpu.memory_space<hbm>>
      %dma_wait3A_440 = tpu.memref_squeeze %dma_wait3A_439 : memref<1x200x64xf32, #tpu.memory_space<hbm>> -> memref<200x64xf32, #tpu.memory_space<hbm>>
      tpu.wait_dma2 semaphore(%arg28 : memref<!tpu.dma_semaphore, #tpu.memory_space<semaphore_mem>>) src(%arg12 : memref<200x64xf32, #tpu.memory_space<vmem>>) dst(%dma_wait3A_440 : memref<200x64xf32, #tpu.memory_space<hbm>>)
      %dma_wait3A_441 = arith.constant 0 : i32
      %dma_wait3A_442 = arith.constant 0 : i32
      %dma_wait3A_443 = tpu.memref_slice %arg5[%add3A_328, %dma_wait3A_441, %dma_wait3A_442] : memref<4096x200x64xf32, #tpu.memory_space<hbm>> -> memref<1x200x64xf32, #tpu.memory_space<hbm>>
      %dma_wait3A_444 = tpu.memref_squeeze %dma_wait3A_443 : memref<1x200x64xf32, #tpu.memory_space<hbm>> -> memref<200x64xf32, #tpu.memory_space<hbm>>
      %dma_wait3A_445 = arith.constant 0 : i32
      %dma_wait3A_446 = arith.constant 0 : i32
      %dma_wait3A_447 = tpu.memref_slice %arg5[%add3A_328, %dma_wait3A_445, %dma_wait3A_446] : memref<4096x200x64xf32, #tpu.memory_space<hbm>> -> memref<1x200x64xf32, #tpu.memory_space<hbm>>
      %dma_wait3A_448 = tpu.memref_squeeze %dma_wait3A_447 : memref<1x200x64xf32, #tpu.memory_space<hbm>> -> memref<200x64xf32, #tpu.memory_space<hbm>>
      tpu.wait_dma2 semaphore(%arg29 : memref<!tpu.dma_semaphore, #tpu.memory_space<semaphore_mem>>) src(%arg13 : memref<200x64xf32, #tpu.memory_space<vmem>>) dst(%dma_wait3A_448 : memref<200x64xf32, #tpu.memory_space<hbm>>)
      %dma_wait3A_449 = arith.constant 0 : i32
      %dma_wait3A_450 = arith.constant 0 : i32
      %dma_wait3A_451 = tpu.memref_slice %arg5[%add3A_360, %dma_wait3A_449, %dma_wait3A_450] : memref<4096x200x64xf32, #tpu.memory_space<hbm>> -> memref<1x200x64xf32, #tpu.memory_space<hbm>>
      %dma_wait3A_452 = tpu.memref_squeeze %dma_wait3A_451 : memref<1x200x64xf32, #tpu.memory_space<hbm>> -> memref<200x64xf32, #tpu.memory_space<hbm>>
      %dma_wait3A_453 = arith.constant 0 : i32
      %dma_wait3A_454 = arith.constant 0 : i32
      %dma_wait3A_455 = tpu.memref_slice %arg5[%add3A_360, %dma_wait3A_453, %dma_wait3A_454] : memref<4096x200x64xf32, #tpu.memory_space<hbm>> -> memref<1x200x64xf32, #tpu.memory_space<hbm>>
      %dma_wait3A_456 = tpu.memref_squeeze %dma_wait3A_455 : memref<1x200x64xf32, #tpu.memory_space<hbm>> -> memref<200x64xf32, #tpu.memory_space<hbm>>
      tpu.wait_dma2 semaphore(%arg30 : memref<!tpu.dma_semaphore, #tpu.memory_space<semaphore_mem>>) src(%arg14 : memref<200x64xf32, #tpu.memory_space<vmem>>) dst(%dma_wait3A_456 : memref<200x64xf32, #tpu.memory_space<hbm>>)
      %dma_wait3A_457 = arith.constant 0 : i32
      %dma_wait3A_458 = arith.constant 0 : i32
      %dma_wait3A_459 = tpu.memref_slice %arg5[%add3A_392, %dma_wait3A_457, %dma_wait3A_458] : memref<4096x200x64xf32, #tpu.memory_space<hbm>> -> memref<1x200x64xf32, #tpu.memory_space<hbm>>
      %dma_wait3A_460 = tpu.memref_squeeze %dma_wait3A_459 : memref<1x200x64xf32, #tpu.memory_space<hbm>> -> memref<200x64xf32, #tpu.memory_space<hbm>>
      %dma_wait3A_461 = arith.constant 0 : i32
      %dma_wait3A_462 = arith.constant 0 : i32
      %dma_wait3A_463 = tpu.memref_slice %arg5[%add3A_392, %dma_wait3A_461, %dma_wait3A_462] : memref<4096x200x64xf32, #tpu.memory_space<hbm>> -> memref<1x200x64xf32, #tpu.memory_space<hbm>>
      %dma_wait3A_464 = tpu.memref_squeeze %dma_wait3A_463 : memref<1x200x64xf32, #tpu.memory_space<hbm>> -> memref<200x64xf32, #tpu.memory_space<hbm>>
      tpu.wait_dma2 semaphore(%arg31 : memref<!tpu.dma_semaphore, #tpu.memory_space<semaphore_mem>>) src(%arg15 : memref<200x64xf32, #tpu.memory_space<vmem>>) dst(%dma_wait3A_464 : memref<200x64xf32, #tpu.memory_space<hbm>>)
    }
    %scan3A_8 = arith.constant 16 : i32
    return
  }
}

</mosaic_0001>

<sc_bundles>
// kernel: _run.3.cloned.1.call-start
scs
__scs_entry_jumppad:
0x0: {  	(pc) =	sbr.rel $0x88, $3  }
0x1: {  	(tag) =	ssettag $0x0;
	lr =	simm.s32 $0x1  }
0x2: {  	[smem:$0x3F9E] =	sst lr;
	_ =	strace $0xD0000000  }
0x3: {  	_ = 	snop  }
0x4: {  	_ = 	snop  }
0x5: {  	_ = 	snop  }
0x6: {  	_ = 	snop  }
0x7: {  	_ = 	snop  }
__scs_overlays_trampoline_lowered:
0x8: {  	[smem:$0x3FAD] =	sst s0  }
0x9: {  	[smem:$0x3FAE] =	sst s1  }
0xa: {  	[smem:$0x3FAF] =	sst s2  }
0xb: {  	[smem:$0x3FB0] =	sst s3  }
0xc: {  	[smem:$0x3FB1] =	sst s4  }
0xd: {  	[smem:$0x3FB2] =	sst s5  }
0xe: {  	[smem:$0x3FB3] =	sst s6  }
0xf: {  	[smem:$0x3FB4] =	sst s7  }
0x10: {  	[smem:$0x3FB5] =	sst s8  }
0x11: {  	[smem:$0x3FB6] =	sst s9;
	s0 =	simm.s32 @!p0 $0x0  }
0x12: {  	s1 =	sld [smem:$0x3F9C];
	s0 =	simm.s32 @p0 $0x1  }
0x13: {  	[smem:$0x3FB7] =	sst s0;
	s0 =	simm.s32 @!p1 $0x0  }
0x14: {  	s2 =	sld [smem:$0x3F9B];
	s0 =	simm.s32 @p1 $0x1  }
0x15: {  	[smem:$0x3FB8] =	sst s0;
	s0 =	simm.s32 @!p2 $0x0  }
0x16: {  	s3 =	sld [smem:$0x3FDB];
	s0 =	simm.s32 @p2 $0x1  }
0x17: {  	s4 =	simm.s32 $0x1BF5;
	[smem:$0x3FBA] =	sst s0  }
0x18: {  	s0 =	sld [smem:$0x3F9D];
	_ =	swait.ge [sflag:s4], $0x0  }
0x19: {  	s7 =	sld [smem:$0x3F9E]  }
0x1a: {  	s8 =	sadd.s32 $0xFFFFE003, lr  }
0x1b: {  	s9 =	sadd.s32 $0xFFFFFEF7, lr;
	s5 =	simm.s32 $0xFFFFFFFF;
	p2 =	slt.u32 s8, $0xFFFFF086  }
0x1c: {  	p1 =	slt.u32 s9, $0xF7A;
	s5 =	simm.s32 @!p2 $0x0  }
0x1d: {  	s5 =	simm.s32 @p1 $0x1;
	p0 =	seq.s32 s7, s2  }
0x1e: {  	s7 =	smul.u32 @!p0 $0xF7A, s2;
	p2 =	seq.s32 @!p0 s5, $0x0  }
0x1f: {  	s9 =	smul.u32 $0xF7A, s1;
	s8 =	simm.s32 @!p0 $0x1BF5;
	p2 =	por !p2, p0  }
0x20: {  	[sflag:s8] =	ssyncset.s32 @!p0 $0xFFFFF086;
	s6 =	sadd.s32 @!p0 s3, s7;
	s7 =	simm.s32 @!p0 $0x108  }
0x21: {  	s3 =	sadd.s32 s3, s9;
	s6 =	sadd.s32 @!p0 $0x88, s6;
	s7 =	simm.s32 @p2 $0x1082  }
0x22: {  	[simem:s7], [sflag:s8] =	dma.local @!p0 [hbm:s6], $0xF7A  }
0x23: {  	s9 =	sor.u32 $0xD0000000, s2;
	s6 =	simm.s32 $0x108;
	_ =	swait.ge @!p0 [sflag:s8], $0x0  }
0x24: {  	s3 =	sadd.s32 $0x88, s3;
	s6 =	simm.s32 @!p1 $0x1082;
	[sflag:s4] =	ssyncset.s32 $0xFFFFF086  }
0x25: {  	[simem:s6], [sflag:s4] =	dma.local [hbm:s3], $0xF7A  }
0x26: {  	[smem:$0x3F9E] =	sst s1;
	(tag) =	ssettag s2;
	_ =	strace s9  }
0x27: {  	s1 =	sld [smem:$0x3FAE]  }
0x28: {  	s2 =	sld [smem:$0x3FAF]  }
0x29: {  	s4 =	sld [smem:$0x3FB1]  }
0x2a: {  	p0 =	seq.s32 s5, $0x0;
	s5 =	sld [smem:$0x3FB2]  }
0x2b: {  	s6 =	sld [smem:$0x3FB3]  }
0x2c: {  	s7 =	sld [smem:$0x3FB4]  }
0x2d: {  	s3 =	simm.s32 $0x108;
	s8 =	sld [smem:$0x3FB5]  }
0x2e: {  	s3 =	simm.s32 @!p0 $0x1082;
	s9 =	sld [smem:$0x3FB6]  }
0x2f: {  	lr =	sadd.s32 s0, s3;
	s0 =	sld [smem:$0x3FAD]  }
0x30: {  	s3 =	sld [smem:$0x3FB0]  }
0x31: {  	[smem:$0x3FB9] =	sst s10  }
0x32: {  	s10 =	sld [smem:$0x3FB7];
	_ =	sdelay $0x3  }
0x33: {  	p0 =	seq.s32 s10, $0x1;
	s10 =	sld [smem:$0x3FB9];
	_ =	sdelay $0x3  }
0x34: {  	[smem:$0x3FB9] =	sst s10  }
0x35: {  	s10 =	sld [smem:$0x3FB8];
	_ =	sdelay $0x3  }
0x36: {  	p1 =	seq.s32 s10, $0x1;
	s10 =	sld [smem:$0x3FB9];
	_ =	sdelay $0x3  }
0x37: {  	[smem:$0x3FB9] =	sst s10  }
0x38: {  	s10 =	sld [smem:$0x3FBA]  }
0x39: {  	_ = 	snop;
	(pc) =	sbr.ind lr, $3  }
0x3a: {  	_ = 	snop  }
0x3b: {  	_ = 	snop  }
0x3c: {  	p2 =	seq.s32 s10, $0x1;
	s10 =	sld [smem:$0x3FB9]  }
0x3d: {  	_ =	shalt  }
0x3e: {  	_ =	shalt  }
0x3f: {  	_ =	shalt  }
0x40: {  	_ =	shalt  }
0x41: {  	_ =	shalt  }
0x42: {  	_ =	shalt  }
0x43: {  	_ =	shalt  }
0x44: {  	_ =	shalt  }
0x45: {  	_ =	shalt  }
0x46: {  	_ =	shalt  }
0x47: {  	_ =	shalt  }
0x48: {  	_ =	shalt  }
0x49: {  	_ =	shalt  }
0x4a: {  	_ =	shalt  }
0x4b: {  	_ =	shalt  }
0x4c: {  	_ =	shalt  }
0x4d: {  	_ =	shalt  }
0x4e: {  	_ =	shalt  }
0x4f: {  	_ =	shalt  }
0x50: {  	_ =	shalt  }
0x51: {  	_ =	shalt  }
0x52: {  	_ =	shalt  }
0x53: {  	_ =	shalt  }
0x54: {  	_ =	shalt  }
0x55: {  	_ =	shalt  }
0x56: {  	_ =	shalt  }
0x57: {  	_ =	shalt  }
0x58: {  	_ =	shalt  }
0x59: {  	_ =	shalt  }
0x5a: {  	_ =	shalt  }
0x5b: {  	_ =	shalt  }
0x5c: {  	_ =	shalt  }
0x5d: {  	_ =	shalt  }
0x5e: {  	_ =	shalt  }
0x5f: {  	_ =	shalt  }
0x60: {  	_ =	shalt  }
0x61: {  	_ =	shalt  }
0x62: {  	_ =	shalt  }
0x63: {  	_ =	shalt  }
0x64: {  	_ =	shalt  }
0x65: {  	_ =	shalt  }
0x66: {  	_ =	shalt  }
0x67: {  	_ =	shalt  }
0x68: {  	_ =	shalt  }
0x69: {  	_ =	shalt  }
0x6a: {  	_ =	shalt  }
0x6b: {  	_ =	shalt  }
0x6c: {  	_ =	shalt  }
0x6d: {  	_ =	shalt  }
0x6e: {  	_ =	shalt  }
0x6f: {  	_ =	shalt  }
0x70: {  	_ =	shalt  }
0x71: {  	_ =	shalt  }
0x72: {  	_ =	shalt  }
0x73: {  	_ =	shalt  }
0x74: {  	_ =	shalt  }
0x75: {  	_ =	shalt  }
0x76: {  	_ =	shalt  }
0x77: {  	_ =	shalt  }
0x78: {  	_ =	shalt  }
0x79: {  	_ =	shalt  }
0x7a: {  	_ =	shalt  }
0x7b: {  	_ =	shalt  }
0x7c: {  	_ =	shalt  }
0x7d: {  	_ =	shalt  }
0x7e: {  	_ =	shalt  }
0x7f: {  	_ =	shalt  }
0x80: {  	_ =	shalt  }
0x81: {  	_ =	shalt  }
0x82: {  	_ =	shalt  }
0x83: {  	_ =	shalt  }
0x84: {  	_ =	shalt  }
0x85: {  	_ =	shalt  }
0x86: {  	_ =	shalt  }
0x87: {  	_ =	shalt  }
.Lfunc_end0:
.L_simem_size_0:
called_computation.1_lowered:
.L_overlay_start_0:
0x88: {  	s2 =	sld [smem:$0x3FD9]  }
0x89: {  	s3 =	sld [smem:$0x3FFE];
	_ =	sdelay $0x1  }
0x8a: {  	s1 =	srdreg.scid  }
0x8b: {  	s0 =	sand.u32 $0x1, s1  }
0x8c: {  	s17 =	sshll.u32 s0, $0xA;
	s2 =	sadd.s32 s3, s2  }
0x8d: {  	s2 =	sadd.s32 s2, s17  }
0x8e: {  	[smem:$0x3FC5] =	sst s2  }
0x8f: {  	_ = 	snop  }
0x90: {  	s2 =	sld [smem:$0x3FC9]  }
0x91: {  	s18 =	sld [smem:$0x3FD0];
	(tm) =	ssettm $0x1  }
0x92: {  	s4 =	sld [smem:$0x3FFB];
	_ =	sdelay $0x3  }
0x93: {  	_ =	strace s4  }
0x94: {  	s4 =	sld [smem:$0x3FFC];
	_ =	sdelay $0x3  }
0x95: {  	_ =	strace s4  }
0x96: {  	s4 =	sld [smem:$0x3FFD];
	_ =	sdelay $0x3  }
0x97: {  	_ =	strace s4  }
0x98: {  	_ =	strace $0x8FFFFFFF  }
0x99: {  	s19 =	sld [smem:$0x3FDB];
	_ =	sdelay $0x1  }
0x9a: {  	s5 =	simm.s32 $_scs_section_size  }
0x9b: {  	s6 =	simm.s32 $_size__tile_overlayer_lowered;
	s7 =	simm.s32 $_tile_overlayer_lowered  }
0x9c: {  	s22 =	simm.s32 $0x1BFF;
	s21 =	sshll.u32 s7, $0x1;
	s4 =	sadd.s32 s5, s19  }
0x9d: {  	s8 =	simm.s32 $0x0;
	s20 =	sshll.u32 s6, $0x1;
	s6 =	sadd.s32 s21, s4  }
0x9e: {  	[timem:s8], [sflag:s22] =	dma.local [hbm:s6], s20  }
0x9f: {  	_ =	swait.ge [sflag:s22], s20  }
0xa0: {  	s5 =	ssub.s32 $0x0, s20;
	[sflag:s22] =	ssyncset.done $0x0  }
0xa1: {  	[sflag:s22] =	ssyncadd.s32 s5;
	_ =	sdelay $0x1  }
0xa2: {  	s23 =	simm.s32 $0x1B8B  }
0xa3: {  	_ =	swait.ge [sflag:s23], $0x1  }
0xa4: {  	[sflag:s23] =	ssyncset.done $0x0  }
0xa5: {  	s25 =	simm.s32 $0x1B8E;
	s24 =	sld [smem:$0x3FFE];
	[sflag:s23] =	ssyncadd.s32 $0xFFFFFFFF  }
0xa6: {  	s26 =	simm.s32 $execute0_lowered;
	[smem:$0x3FD2] =	sst s25  }
0xa7: {  	s6 =	sshll.u32 s26, $0x1;
	_ =	strace $0x80000046;
	[dreg:$0x1] =	wrdreg $0xFFFFFFFF  }
0xa8: {  	s28 =	simm.s32 $_size_execute0_lowered;
	s4 =	sadd.s32 s4, s6;
	[dreg:$0x0] =	wrdreg $0x0  }
0xa9: {  	s6 =	sshll.u32 s28, $0x1;
	[dreg:$0x2] =	wrdreg s4  }
0xaa: {  	[dreg:$0x3] =	wrdreg s6  }
0xab: {  	[dreg:$0x4] =	wrdreg $0xC0  }
0xac: {  	_ =	task [dreg:s8], $0x5FFFF  }
0xad: {  	[dreg:$0x1] =	wrdreg $0xFFFFFFFF  }
0xae: {  	[dreg:$0x0] =	wrdreg $0x60  }
0xaf: {  	[dreg:$0x2] =	wrdreg s2  }
0xb0: {  	[dreg:$0x3] =	wrdreg s24  }
0xb1: {  	[dreg:$0x4] =	wrdreg s18  }
0xb2: {  	[dreg:$0x5] =	wrdreg $0x9  }
0xb3: {  	_ =	task.clear_ibuf [dreg:s8], $0x6FFFF;
	_ =	strace $0x90000046  }
0xb4: {  	s29 =	simm.s32 $0x9;
	_ =	strace $0x80000048  }
0xb5: {  	_ =	swait.ge [sflag:s29], $0x1  }
0xb6: {  	[sflag:s29] =	ssyncadd.s32 $0xFFFFFFFF  }
0xb7: {  	_ =	strace $0x90000048  }
0xb8: {  	_ =	sfence  }
0xb9: {  	s30 =	sld [smem:$0x0];
	_ =	sdelay $0x2  }
0xba: {  	s31 =	sshll.u32 s1, $0xD;
	s1 =	sshrl.u32 s1, $0x2  }
0xbb: {  	s3 =	sand.u32 $0x4000, s31;
	s1 =	sadd.s32 s1, s30  }
0xbc: {  	s0 =	sor.u32 s3, s0;
	s1 =	sshll.u32 s1, $0x11  }
0xbd: {  	s0 =	sor.u32 s1, s0  }
0xbe: {  	s0 =	sadd.s32 $0x8F2B, s0  }
0xbf: {  	[sflag:s0] =	ssyncadd.remote.s32 $0x1  }
0xc0: {  	_ =	sfence.sel $0xFFFF  }
0xc1: {  	[dreg:$0x0] =	wrdreg $0xFFFFFFFF;
	(pc) =	sbr.abs _section_cstart, $3  }
0xc2: {  	[dreg:$0x1] =	wrdreg $0xFFFFFFFF  }
0xc3: {  	_ =	task.clear_ibuf [dreg:s8], $0x2FFFF;
	_ =	strace $0x9FFFFFFF  }
0xc4: {  	(tm) =	ssettm $0x7FFFFFFF  }
0xc5: {  	_ =	shalt  }
tec
execute0_lowered:
.L_overlay_start_1:
0x0: {  	(tag) =	ssettag $0x1  }
0x1: {  	s0 =	rddreg [dreg:$0x1]  }
0x2: {  	s2 =	simm.s32 $0x0;
	s1 =	srdreg.scid;
	s4 =	stileid.u32  }
0x3: {  	s11 =	simm.s32 $0x11;
	s12 =	simm.s32 $0x68;
	s21 =	simm.s32 $0x3840  }
0x4: {  	s14 =	simm.s32 $0x60;
	s30 =	simm.s32 $0x10040;
	s10 =	simm.s32 $0x13240  }
0x5: {  	s19 =	simm.s32 $0x19640;
	s23 =	simm.s32 $0x1;
	s28 =	simm.s32 $0x4  }
0x6: {  	s29 =	simm.s32 $0x5;
	s31 =	simm.s32 $0x6;
	s6 =	simm.s32 $0x9  }
0x7: {  	s9 =	simm.s32 $0xA;
	s15 =	simm.s32 $0xC;
	s16 =	simm.s32 $0xD  }
0x8: {  	s18 =	simm.s32 $0xE;
	s20 =	simm.s32 $0xF;
	s22 =	simm.s32 $0x10  }
0x9: {  	s7 =	simm.s32 $0x0;
	[smem:$0x7FF] =	sst s2;
	s1 =	sand.u32 $0x1, s1  }
0xa: {  	s5 =	sadd.s32 $0xF42E00, s0;
	s4 =	sshll.u32 s4, $0x1;
	s0 =	sadd.s32 $0xA00, s0  }
0xb: {  	_ =	strace $0x80000047;
	s24 =	ssub.s32 $0x2, s1;
	[dreg:$0x4] =	wrdreg s0  }
0xc: {  	s1 =	sor.u32 s1, s4;
	s4 =	simm.s32 $0x8;
	s3 =	sshrl.u32 s24, $0x1  }
0xd: {  	s26 =	smul.u32 $0x6400, s1;
	s8 =	sshll.u32 s1, $0x7;
	s1 =	simm.s32 $0xB  }
0xe: {  	s25 =	ssub.s32 s24, s3;
	s3 =	simm.s32 $0x16440;
	s24 =	simm.s32 $0x2  }
0xf: {  	[dreg:$0x5] =	wrdreg s26;
	s0 =	smax.u32 s25, $0x1;
	s25 =	simm.s32 $0xCE40  }
0x10: {  	s26 =	simm.s32 $0x3;
	[dreg:$0x6] =	wrdreg s0;
	s0 =	simm.s32 $0x7  }
.LBB2_1:
0x11: {  	[dreg:$0x7] =	wrdreg s7  }
0x12: {  	s2 =	simm.s32 $0x0;
	s17 =	rddreg [dreg:$0x4];
	s13 =	simm.s32 $0x640  }
0x13: {  	[tilespmem:s13], [sflag:$0x11] =	stream.linear.gather [hbm4b:s17+s2], $0x3200, $0x38;
	[tilespmem:$0x1C840] =	vst v63  }
0x14: {  	_ =	swait.ge [sflag:s11], $0x3200  }
0x15: {  	[sflag:s11] =	ssyncset.done $0x0  }
0x16: {  	s2 =	simm.s32 $0x0;
	[sflag:s11] =	ssyncadd.s32 $0xFFFFCE00  }
.LBB2_2:
0x17: {  	s7 =	smul.u32 $0x640, s2  }
0x18: {  	s13 =	rddreg [dreg:$0x5]  }
0x19: {  	s7 =	sadd.s32 s13, s7  }
0x1a: {  	s17 =	rddreg [dreg:$0x0];
	s7 =	sshrl.u32 s7, $0x3  }
0x1b: {  	s7 =	sadd.s32 s17, s7;
	s17 =	simm.s32 $0x0  }
0x1c: {  	[tilespmem:s17], [sflag:$0x11] =	stream.linear.gather [hbm4b:s7+s17], $0x640, $0x38;
	[tilespmem:$0x1C840] =	vst v63  }
0x1d: {  	_ =	swait.ge [sflag:s11], $0x640  }
0x1e: {  	[sflag:s11] =	ssyncset.done $0x0  }
0x1f: {  	[sflag:s11] =	ssyncadd.s32 $0xFFFFF9C0  }
0x20: {  	[tilespmem:s21], [sflag:$0x1] =	stream.indirect.gather [hbm4b:s5+s12], $0x40, s17, s12, $0xb8;
	[tilespmem:$0x1C840] =	vst v63  }
0x21: {  	s17 =	simm.s32 $0x5240  }
0x22: {  	[tilespmem:s17], [sflag:$0x1] =	stream.indirect.gather [hbm4b:s5+s14], $0x40, s12, s14, $0xb8;
	[tilespmem:$0x1C840] =	vst v63  }
0x23: {  	s13 =	simm.s32 $0xC8;
	s17 =	simm.s32 $0x6A40  }
0x24: {  	[tilespmem:s17], [sflag:$0x2] =	stream.indirect.gather [hbm4b:s5+s12], $0x40, s13, s12, $0xb8;
	[tilespmem:$0x1C840] =	vst v63  }
0x25: {  	s13 =	simm.s32 $0x130;
	s17 =	simm.s32 $0x8440  }
0x26: {  	[tilespmem:s17], [sflag:$0x2] =	stream.indirect.gather [hbm4b:s5+s14], $0x40, s13, s14, $0xb8;
	[tilespmem:$0x1C840] =	vst v63  }
0x27: {  	s13 =	simm.s32 $0x190;
	s17 =	simm.s32 $0x9C40  }
0x28: {  	[tilespmem:s17], [sflag:$0x3] =	stream.indirect.gather [hbm4b:s5+s12], $0x40, s13, s12, $0xb8;
	[tilespmem:$0x1C840] =	vst v63  }
0x29: {  	s13 =	simm.s32 $0x1F8;
	s17 =	simm.s32 $0xB640  }
0x2a: {  	[tilespmem:s17], [sflag:$0x3] =	stream.indirect.gather [hbm4b:s5+s14], $0x40, s13, s14, $0xb8;
	[tilespmem:$0x1C840] =	vst v63  }
0x2b: {  	s17 =	simm.s32 $0x258  }
0x2c: {  	[tilespmem:s25], [sflag:$0x4] =	stream.indirect.gather [hbm4b:s5+s12], $0x40, s17, s12, $0xb8;
	[tilespmem:$0x1C840] =	vst v63  }
0x2d: {  	s13 =	simm.s32 $0x2C0;
	s17 =	simm.s32 $0xE840  }
0x2e: {  	[tilespmem:s17], [sflag:$0x4] =	stream.indirect.gather [hbm4b:s5+s14], $0x40, s13, s14, $0xb8;
	[tilespmem:$0x1C840] =	vst v63  }
0x2f: {  	s17 =	simm.s32 $0x320  }
0x30: {  	[tilespmem:s30], [sflag:$0x5] =	stream.indirect.gather [hbm4b:s5+s12], $0x40, s17, s12, $0xb8;
	[tilespmem:$0x1C840] =	vst v63  }
0x31: {  	s13 =	simm.s32 $0x388;
	s17 =	simm.s32 $0x11A40  }
0x32: {  	[tilespmem:s17], [sflag:$0x5] =	stream.indirect.gather [hbm4b:s5+s14], $0x40, s13, s14, $0xb8;
	[tilespmem:$0x1C840] =	vst v63  }
0x33: {  	s17 =	simm.s32 $0x3E8  }
0x34: {  	[tilespmem:s10], [sflag:$0x6] =	stream.indirect.gather [hbm4b:s5+s12], $0x40, s17, s12, $0xb8;
	[tilespmem:$0x1C840] =	vst v63  }
0x35: {  	s13 =	simm.s32 $0x450;
	s17 =	simm.s32 $0x14C40  }
0x36: {  	[tilespmem:s17], [sflag:$0x6] =	stream.indirect.gather [hbm4b:s5+s14], $0x40, s13, s14, $0xb8;
	[tilespmem:$0x1C840] =	vst v63  }
0x37: {  	s17 =	simm.s32 $0x4B0  }
0x38: {  	[tilespmem:s3], [sflag:$0x7] =	stream.indirect.gather [hbm4b:s5+s12], $0x40, s17, s12, $0xb8;
	[tilespmem:$0x1C840] =	vst v63  }
0x39: {  	s13 =	simm.s32 $0x518;
	s17 =	simm.s32 $0x17E40  }
0x3a: {  	[tilespmem:s17], [sflag:$0x7] =	stream.indirect.gather [hbm4b:s5+s14], $0x40, s13, s14, $0xb8;
	[tilespmem:$0x1C840] =	vst v63  }
0x3b: {  	s17 =	simm.s32 $0x578  }
0x3c: {  	[tilespmem:s19], [sflag:$0x8] =	stream.indirect.gather [hbm4b:s5+s12], $0x40, s17, s12, $0xb8;
	[tilespmem:$0x1C840] =	vst v63  }
0x3d: {  	s13 =	simm.s32 $0x5E0;
	s17 =	simm.s32 $0x1B040  }
0x3e: {  	[tilespmem:s17], [sflag:$0x8] =	stream.indirect.gather [hbm4b:s5+s14], $0x40, s13, s14, $0xb8;
	[tilespmem:$0x1C840] =	vst v63  }
0x3f: {  	_ =	swait.ge [sflag:s23], $0x1A00  }
0x40: {  	[sflag:s23] =	ssyncset.done $0x0  }
0x41: {  	[sflag:s23] =	ssyncadd.s32 $0xFFFFE600  }
0x42: {  	_ =	swait.ge [sflag:s23], $0x1800  }
0x43: {  	[sflag:s23] =	ssyncset.done $0x0  }
0x44: {  	s13 =	simm.s32 $0x0;
	[sflag:s23] =	ssyncadd.s32 $0xFFFFE800  }
0x45: {  	v5 =	vld [tilespmem:s13+$0x640]  }
0x46: {  	v6 =	vld [tilespmem:s13+$0x650]  }
0x47: {  	v1 =	vld [tilespmem:s13+$0x660]  }
0x48: {  	v0 =	vld [tilespmem:s13+$0x670]  }
0x49: {  	v3 =	vld [tilespmem:s13+$0x3840]  }
0x4a: {  	v4 =	vld [tilespmem:s13+$0x3850]  }
0x4b: {  	s7 =	simm.s32 $0x100;
	v2 =	vld [tilespmem:s13+$0x3860]  }
.LBB2_3:
0x4c: {  	s17 =	sshra.s32 s7, $0x2;
	p0 =	sne.s32 s7, $0xC700;
	v7 =	vld [tilespmem:s13+$0x3870];
	v8 =	vmov v1  }
0x4d: {  	v9 =	vld [tilespmem:s17+$0x640];
	v10 =	vmov v0  }
0x4e: {  	v11 =	vld [tilespmem:s17+$0x650];
	v3 =	vadd.f32 v5, v3  }
.Ltmp0:
0x4f: {  	v1 =	vld [tilespmem:s17+$0x660];
	v4 =	vadd.f32 v6, v4;
	(pc) =	sbr.rel @p0 .LBB2_3-.Ltmp0, $4  }
0x50: {  	v0 =	vld [tilespmem:s17+$0x670];
	[tilespmem:s13+$0x3840] =	vst v3;
	v2 =	vadd.f32 v8, v2  }
0x51: {  	v3 =	vld [tilespmem:s17+$0x3840];
	[tilespmem:s13+$0x3850] =	vst v4;
	v7 =	vadd.f32 v10, v7  }
0x52: {  	v4 =	vld [tilespmem:s17+$0x3850];
	[tilespmem:s13+$0x3860] =	vst v2;
	v5 =	vmov v9  }
0x53: {  	s7 =	sadd.s32 $0x100, s7;
	v2 =	vld [tilespmem:s17+$0x3860];
	[tilespmem:s13+$0x3870] =	vst v7;
	v6 =	vmov v11;
	s13 =	smov.u32 s17  }
0x54: {  	v7 =	vld [tilespmem:s13+$0x3870];
	_ =	sdelay $0x1  }
0x55: {  	v3 =	vadd.f32 v5, v3  }
0x56: {  	v4 =	vadd.f32 v6, v4  }
0x57: {  	s7 =	sshll.u32 s2, $0x3;
	[tilespmem:s13+$0x3840] =	vst v3;
	v1 =	vadd.f32 v1, v2  }
0x58: {  	s17 =	sadd.s32 s8, s7;
	[tilespmem:s13+$0x3850] =	vst v4;
	v0 =	vadd.f32 v0, v7  }
0x59: {  	s17 =	smul.u32 $0x640, s17;
	[tilespmem:s13+$0x3860] =	vst v1  }
0x5a: {  	[tilespmem:s13+$0x3870] =	vst v0;
	s13 =	rddreg [dreg:$0x2]  }
0x5b: {  	s13 =	sadd.s32 s13, s17;
	s17 =	simm.s32 $0x0  }
0x5c: {  	[hbm4b:s13+s17] =	stream.linear.scatter [tilespmem:s21], [sflag:$0x9], $0x3200, $0x38;
	[tilespmem:$0x1C840] =	vst v63  }
0x5d: {  	_ =	swait.ge [sflag:s24], $0x1A00  }
0x5e: {  	[sflag:s24] =	ssyncset.done $0x0  }
0x5f: {  	[sflag:s24] =	ssyncadd.s32 $0xFFFFE600  }
0x60: {  	_ =	swait.ge [sflag:s24], $0x1800  }
0x61: {  	[sflag:s24] =	ssyncset.done $0x0  }
0x62: {  	s13 =	simm.s32 $0x0;
	[sflag:s24] =	ssyncadd.s32 $0xFFFFE800  }
0x63: {  	v5 =	vld [tilespmem:s13+$0x640]  }
0x64: {  	v6 =	vld [tilespmem:s13+$0x650]  }
0x65: {  	v1 =	vld [tilespmem:s13+$0x660]  }
0x66: {  	v0 =	vld [tilespmem:s13+$0x670]  }
0x67: {  	v3 =	vld [tilespmem:s13+$0x6A40]  }
0x68: {  	v4 =	vld [tilespmem:s13+$0x6A50]  }
0x69: {  	s17 =	simm.s32 $0x100;
	v2 =	vld [tilespmem:s13+$0x6A60]  }
.LBB2_5:
0x6a: {  	s21 =	sshra.s32 s17, $0x2;
	p0 =	sne.s32 s17, $0xC700;
	v7 =	vld [tilespmem:s13+$0x6A70];
	v8 =	vmov v1  }
0x6b: {  	v9 =	vld [tilespmem:s21+$0x640];
	v10 =	vmov v0  }
0x6c: {  	v11 =	vld [tilespmem:s21+$0x650];
	v3 =	vadd.f32 v5, v3  }
.Ltmp1:
0x6d: {  	v1 =	vld [tilespmem:s21+$0x660];
	v4 =	vadd.f32 v6, v4;
	(pc) =	sbr.rel @p0 .LBB2_5-.Ltmp1, $4  }
0x6e: {  	v0 =	vld [tilespmem:s21+$0x670];
	[tilespmem:s13+$0x6A40] =	vst v3;
	v2 =	vadd.f32 v8, v2  }
0x6f: {  	v3 =	vld [tilespmem:s21+$0x6A40];
	[tilespmem:s13+$0x6A50] =	vst v4;
	v7 =	vadd.f32 v10, v7  }
0x70: {  	v4 =	vld [tilespmem:s21+$0x6A50];
	[tilespmem:s13+$0x6A60] =	vst v2;
	v5 =	vmov v9  }
0x71: {  	s17 =	sadd.s32 $0x100, s17;
	v2 =	vld [tilespmem:s21+$0x6A60];
	[tilespmem:s13+$0x6A70] =	vst v7;
	v6 =	vmov v11;
	s13 =	smov.u32 s21  }
0x72: {  	v7 =	vld [tilespmem:s13+$0x6A70];
	_ =	sdelay $0x1  }
0x73: {  	v3 =	vadd.f32 v5, v3  }
0x74: {  	s7 =	sadd.s32 s7, s8;
	v4 =	vadd.f32 v6, v4  }
0x75: {  	s7 =	smul.u32 $0x640, s7;
	[tilespmem:s13+$0x6A40] =	vst v3;
	v1 =	vadd.f32 v1, v2  }
0x76: {  	s17 =	rddreg [dreg:$0x2];
	[tilespmem:s13+$0x6A50] =	vst v4;
	v0 =	vadd.f32 v0, v7  }
0x77: {  	s7 =	sadd.s32 s17, s7;
	[tilespmem:s13+$0x6A60] =	vst v1  }
0x78: {  	s21 =	simm.s32 $0x6A40;
	s17 =	simm.s32 $0x0;
	[tilespmem:s13+$0x6A70] =	vst v0;
	s13 =	sadd.s32 $0x640, s7  }
0x79: {  	[hbm4b:s13+s17] =	stream.linear.scatter [tilespmem:s21], [sflag:$0xA], $0x3200, $0x38;
	[tilespmem:$0x1C840] =	vst v63  }
0x7a: {  	_ =	swait.ge [sflag:s26], $0x1A00  }
0x7b: {  	[sflag:s26] =	ssyncset.done $0x0  }
0x7c: {  	[sflag:s26] =	ssyncadd.s32 $0xFFFFE600  }
0x7d: {  	_ =	swait.ge [sflag:s26], $0x1800  }
0x7e: {  	[sflag:s26] =	ssyncset.done $0x0  }
0x7f: {  	s13 =	simm.s32 $0x0;
	[sflag:s26] =	ssyncadd.s32 $0xFFFFE800  }
0x80: {  	v5 =	vld [tilespmem:s13+$0x640]  }
0x81: {  	v6 =	vld [tilespmem:s13+$0x650]  }
0x82: {  	v1 =	vld [tilespmem:s13+$0x660]  }
0x83: {  	v0 =	vld [tilespmem:s13+$0x670]  }
0x84: {  	v2 =	vld [tilespmem:s13+$0x9C40]  }
0x85: {  	v4 =	vld [tilespmem:s13+$0x9C50]  }
0x86: {  	s17 =	simm.s32 $0x100;
	v3 =	vld [tilespmem:s13+$0x9C60]  }
.LBB2_7:
0x87: {  	s21 =	sshra.s32 s17, $0x2;
	p0 =	sne.s32 s17, $0xC700;
	v7 =	vld [tilespmem:s13+$0x9C70];
	v8 =	vmov v1  }
0x88: {  	v9 =	vld [tilespmem:s21+$0x640];
	v10 =	vmov v0  }
0x89: {  	v11 =	vld [tilespmem:s21+$0x650];
	v2 =	vadd.f32 v5, v2  }
.Ltmp2:
0x8a: {  	v1 =	vld [tilespmem:s21+$0x660];
	v4 =	vadd.f32 v6, v4;
	(pc) =	sbr.rel @p0 .LBB2_7-.Ltmp2, $4  }
0x8b: {  	v0 =	vld [tilespmem:s21+$0x670];
	[tilespmem:s13+$0x9C40] =	vst v2;
	v3 =	vadd.f32 v8, v3  }
0x8c: {  	v2 =	vld [tilespmem:s21+$0x9C40];
	[tilespmem:s13+$0x9C50] =	vst v4;
	v7 =	vadd.f32 v10, v7  }
0x8d: {  	v4 =	vld [tilespmem:s21+$0x9C50];
	[tilespmem:s13+$0x9C60] =	vst v3;
	v5 =	vmov v9  }
0x8e: {  	s17 =	sadd.s32 $0x100, s17;
	v3 =	vld [tilespmem:s21+$0x9C60];
	[tilespmem:s13+$0x9C70] =	vst v7;
	v6 =	vmov v11;
	s13 =	smov.u32 s21  }
0x8f: {  	v7 =	vld [tilespmem:s13+$0x9C70];
	_ =	sdelay $0x1  }
0x90: {  	v2 =	vadd.f32 v5, v2  }
0x91: {  	v4 =	vadd.f32 v6, v4  }
0x92: {  	[tilespmem:s13+$0x9C40] =	vst v2;
	v1 =	vadd.f32 v1, v3  }
0x93: {  	[tilespmem:s13+$0x9C50] =	vst v4;
	v0 =	vadd.f32 v0, v7  }
0x94: {  	[tilespmem:s13+$0x9C60] =	vst v1  }
0x95: {  	s17 =	simm.s32 $0x0;
	s21 =	simm.s32 $0x9C40;
	[tilespmem:s13+$0x9C70] =	vst v0;
	s13 =	sadd.s32 $0xC80, s7  }
0x96: {  	[hbm4b:s13+s17] =	stream.linear.scatter [tilespmem:s21], [sflag:$0xB], $0x3200, $0x38;
	[tilespmem:$0x1C840] =	vst v63  }
0x97: {  	_ =	swait.ge [sflag:s28], $0x1A00  }
0x98: {  	[sflag:s28] =	ssyncset.done $0x0  }
0x99: {  	[sflag:s28] =	ssyncadd.s32 $0xFFFFE600  }
0x9a: {  	_ =	swait.ge [sflag:s28], $0x1800  }
0x9b: {  	[sflag:s28] =	ssyncset.done $0x0  }
0x9c: {  	s13 =	simm.s32 $0x0;
	[sflag:s28] =	ssyncadd.s32 $0xFFFFE800  }
0x9d: {  	v5 =	vld [tilespmem:s13+$0x640]  }
0x9e: {  	v6 =	vld [tilespmem:s13+$0x650]  }
0x9f: {  	v1 =	vld [tilespmem:s13+$0x660]  }
0xa0: {  	v0 =	vld [tilespmem:s13+$0x670]  }
0xa1: {  	v2 =	vld [tilespmem:s13+$0xCE40]  }
0xa2: {  	v4 =	vld [tilespmem:s13+$0xCE50]  }
0xa3: {  	s17 =	simm.s32 $0x100;
	v3 =	vld [tilespmem:s13+$0xCE60]  }
.LBB2_9:
0xa4: {  	s21 =	sshra.s32 s17, $0x2;
	p0 =	sne.s32 s17, $0xC700;
	v7 =	vld [tilespmem:s13+$0xCE70];
	v8 =	vmov v1  }
0xa5: {  	v9 =	vld [tilespmem:s21+$0x640];
	v10 =	vmov v0  }
0xa6: {  	v11 =	vld [tilespmem:s21+$0x650];
	v2 =	vadd.f32 v5, v2  }
.Ltmp3:
0xa7: {  	v1 =	vld [tilespmem:s21+$0x660];
	v4 =	vadd.f32 v6, v4;
	(pc) =	sbr.rel @p0 .LBB2_9-.Ltmp3, $4  }
0xa8: {  	v0 =	vld [tilespmem:s21+$0x670];
	[tilespmem:s13+$0xCE40] =	vst v2;
	v3 =	vadd.f32 v8, v3  }
0xa9: {  	v2 =	vld [tilespmem:s21+$0xCE40];
	[tilespmem:s13+$0xCE50] =	vst v4;
	v7 =	vadd.f32 v10, v7  }
0xaa: {  	v4 =	vld [tilespmem:s21+$0xCE50];
	[tilespmem:s13+$0xCE60] =	vst v3;
	v5 =	vmov v9  }
0xab: {  	s17 =	sadd.s32 $0x100, s17;
	v3 =	vld [tilespmem:s21+$0xCE60];
	[tilespmem:s13+$0xCE70] =	vst v7;
	v6 =	vmov v11;
	s13 =	smov.u32 s21  }
0xac: {  	v7 =	vld [tilespmem:s13+$0xCE70];
	_ =	sdelay $0x1  }
0xad: {  	v2 =	vadd.f32 v5, v2  }
0xae: {  	v4 =	vadd.f32 v6, v4  }
0xaf: {  	[tilespmem:s13+$0xCE40] =	vst v2;
	v1 =	vadd.f32 v1, v3  }
0xb0: {  	[tilespmem:s13+$0xCE50] =	vst v4;
	v0 =	vadd.f32 v0, v7  }
0xb1: {  	[tilespmem:s13+$0xCE60] =	vst v1  }
0xb2: {  	s21 =	sadd.s32 $0x12C0, s7;
	s17 =	simm.s32 $0x0;
	[tilespmem:s13+$0xCE70] =	vst v0  }
0xb3: {  	[hbm4b:s21+s17] =	stream.linear.scatter [tilespmem:s25], [sflag:$0xC], $0x3200, $0x38;
	[tilespmem:$0x1C840] =	vst v63  }
0xb4: {  	_ =	swait.ge [sflag:s29], $0x1A00  }
0xb5: {  	[sflag:s29] =	ssyncset.done $0x0  }
0xb6: {  	[sflag:s29] =	ssyncadd.s32 $0xFFFFE600  }
0xb7: {  	_ =	swait.ge [sflag:s29], $0x1800  }
0xb8: {  	[sflag:s29] =	ssyncset.done $0x0  }
0xb9: {  	s13 =	simm.s32 $0x0;
	[sflag:s29] =	ssyncadd.s32 $0xFFFFE800  }
0xba: {  	v5 =	vld [tilespmem:s13+$0x640]  }
0xbb: {  	v6 =	vld [tilespmem:s13+$0x650]  }
0xbc: {  	v1 =	vld [tilespmem:s13+$0x660]  }
0xbd: {  	v0 =	vld [tilespmem:s13+$0x670]  }
0xbe: {  	v2 =	vld [tilespmem:s13+$0x10040]  }
0xbf: {  	v4 =	vld [tilespmem:s13+$0x10050]  }
0xc0: {  	s17 =	simm.s32 $0x100;
	v3 =	vld [tilespmem:s13+$0x10060]  }
.LBB2_11:
0xc1: {  	s21 =	sshra.s32 s17, $0x2;
	p0 =	sne.s32 s17, $0xC700;
	v7 =	vld [tilespmem:s13+$0x10070];
	v8 =	vmov v1  }
0xc2: {  	v9 =	vld [tilespmem:s21+$0x640];
	v10 =	vmov v0  }
0xc3: {  	v11 =	vld [tilespmem:s21+$0x650];
	v2 =	vadd.f32 v5, v2  }
.Ltmp4:
0xc4: {  	v1 =	vld [tilespmem:s21+$0x660];
	v4 =	vadd.f32 v6, v4;
	(pc) =	sbr.rel @p0 .LBB2_11-.Ltmp4, $4  }
0xc5: {  	v0 =	vld [tilespmem:s21+$0x670];
	[tilespmem:s13+$0x10040] =	vst v2;
	v3 =	vadd.f32 v8, v3  }
0xc6: {  	v2 =	vld [tilespmem:s21+$0x10040];
	[tilespmem:s13+$0x10050] =	vst v4;
	v7 =	vadd.f32 v10, v7  }
0xc7: {  	v4 =	vld [tilespmem:s21+$0x10050];
	[tilespmem:s13+$0x10060] =	vst v3;
	v5 =	vmov v9  }
0xc8: {  	s17 =	sadd.s32 $0x100, s17;
	v3 =	vld [tilespmem:s21+$0x10060];
	[tilespmem:s13+$0x10070] =	vst v7;
	v6 =	vmov v11;
	s13 =	smov.u32 s21  }
0xc9: {  	v7 =	vld [tilespmem:s13+$0x10070];
	_ =	sdelay $0x1  }
0xca: {  	v2 =	vadd.f32 v5, v2  }
0xcb: {  	v4 =	vadd.f32 v6, v4  }
0xcc: {  	[tilespmem:s13+$0x10040] =	vst v2;
	v1 =	vadd.f32 v1, v3  }
0xcd: {  	[tilespmem:s13+$0x10050] =	vst v4;
	v0 =	vadd.f32 v0, v7  }
0xce: {  	[tilespmem:s13+$0x10060] =	vst v1  }
0xcf: {  	s21 =	sadd.s32 $0x1900, s7;
	s17 =	simm.s32 $0x0;
	[tilespmem:s13+$0x10070] =	vst v0  }
0xd0: {  	[hbm4b:s21+s17] =	stream.linear.scatter [tilespmem:s30], [sflag:$0xD], $0x3200, $0x38;
	[tilespmem:$0x1C840] =	vst v63  }
0xd1: {  	_ =	swait.ge [sflag:s31], $0x1A00  }
0xd2: {  	[sflag:s31] =	ssyncset.done $0x0  }
0xd3: {  	[sflag:s31] =	ssyncadd.s32 $0xFFFFE600  }
0xd4: {  	_ =	swait.ge [sflag:s31], $0x1800  }
0xd5: {  	[sflag:s31] =	ssyncset.done $0x0  }
0xd6: {  	s13 =	simm.s32 $0x0;
	[sflag:s31] =	ssyncadd.s32 $0xFFFFE800  }
0xd7: {  	v5 =	vld [tilespmem:s13+$0x640]  }
0xd8: {  	v6 =	vld [tilespmem:s13+$0x650]  }
0xd9: {  	v1 =	vld [tilespmem:s13+$0x660]  }
0xda: {  	v0 =	vld [tilespmem:s13+$0x670]  }
0xdb: {  	v2 =	vld [tilespmem:s13+$0x13240]  }
0xdc: {  	v4 =	vld [tilespmem:s13+$0x13250]  }
0xdd: {  	s17 =	simm.s32 $0x100;
	v3 =	vld [tilespmem:s13+$0x13260]  }
.LBB2_13:
0xde: {  	s21 =	sshra.s32 s17, $0x2;
	p0 =	sne.s32 s17, $0xC700;
	v7 =	vld [tilespmem:s13+$0x13270];
	v8 =	vmov v1  }
0xdf: {  	v9 =	vld [tilespmem:s21+$0x640];
	v10 =	vmov v0  }
0xe0: {  	v11 =	vld [tilespmem:s21+$0x650];
	v2 =	vadd.f32 v5, v2  }
.Ltmp5:
0xe1: {  	v1 =	vld [tilespmem:s21+$0x660];
	v4 =	vadd.f32 v6, v4;
	(pc) =	sbr.rel @p0 .LBB2_13-.Ltmp5, $4  }
0xe2: {  	v0 =	vld [tilespmem:s21+$0x670];
	[tilespmem:s13+$0x13240] =	vst v2;
	v3 =	vadd.f32 v8, v3  }
0xe3: {  	v2 =	vld [tilespmem:s21+$0x13240];
	[tilespmem:s13+$0x13250] =	vst v4;
	v7 =	vadd.f32 v10, v7  }
0xe4: {  	v4 =	vld [tilespmem:s21+$0x13250];
	[tilespmem:s13+$0x13260] =	vst v3;
	v5 =	vmov v9  }
0xe5: {  	s17 =	sadd.s32 $0x100, s17;
	v3 =	vld [tilespmem:s21+$0x13260];
	[tilespmem:s13+$0x13270] =	vst v7;
	v6 =	vmov v11;
	s13 =	smov.u32 s21  }
0xe6: {  	v7 =	vld [tilespmem:s13+$0x13270];
	_ =	sdelay $0x1  }
0xe7: {  	v2 =	vadd.f32 v5, v2  }
0xe8: {  	v4 =	vadd.f32 v6, v4  }
0xe9: {  	[tilespmem:s13+$0x13240] =	vst v2;
	v1 =	vadd.f32 v1, v3  }
0xea: {  	[tilespmem:s13+$0x13250] =	vst v4;
	v0 =	vadd.f32 v0, v7  }
0xeb: {  	[tilespmem:s13+$0x13260] =	vst v1  }
0xec: {  	s21 =	sadd.s32 $0x1F40, s7;
	s17 =	simm.s32 $0x0;
	[tilespmem:s13+$0x13270] =	vst v0  }
0xed: {  	[hbm4b:s21+s17] =	stream.linear.scatter [tilespmem:s10], [sflag:$0xE], $0x3200, $0x38;
	[tilespmem:$0x1C840] =	vst v63  }
0xee: {  	_ =	swait.ge [sflag:s0], $0x1A00  }
0xef: {  	[sflag:s0] =	ssyncset.done $0x0  }
0xf0: {  	[sflag:s0] =	ssyncadd.s32 $0xFFFFE600  }
0xf1: {  	_ =	swait.ge [sflag:s0], $0x1800  }
0xf2: {  	[sflag:s0] =	ssyncset.done $0x0  }
0xf3: {  	s13 =	simm.s32 $0x0;
	[sflag:s0] =	ssyncadd.s32 $0xFFFFE800  }
0xf4: {  	v5 =	vld [tilespmem:s13+$0x640]  }
0xf5: {  	v6 =	vld [tilespmem:s13+$0x650]  }
0xf6: {  	v1 =	vld [tilespmem:s13+$0x660]  }
0xf7: {  	v0 =	vld [tilespmem:s13+$0x670]  }
0xf8: {  	v2 =	vld [tilespmem:s13+$0x16440]  }
0xf9: {  	v4 =	vld [tilespmem:s13+$0x16450]  }
0xfa: {  	s17 =	simm.s32 $0x100;
	v3 =	vld [tilespmem:s13+$0x16460]  }
.LBB2_15:
0xfb: {  	s21 =	sshra.s32 s17, $0x2;
	p0 =	sne.s32 s17, $0xC700;
	v7 =	vld [tilespmem:s13+$0x16470];
	v8 =	vmov v1  }
0xfc: {  	v9 =	vld [tilespmem:s21+$0x640];
	v10 =	vmov v0  }
0xfd: {  	v11 =	vld [tilespmem:s21+$0x650];
	v2 =	vadd.f32 v5, v2  }
.Ltmp6:
0xfe: {  	v1 =	vld [tilespmem:s21+$0x660];
	v4 =	vadd.f32 v6, v4;
	(pc) =	sbr.rel @p0 .LBB2_15-.Ltmp6, $4  }
0xff: {  	v0 =	vld [tilespmem:s21+$0x670];
	[tilespmem:s13+$0x16440] =	vst v2;
	v3 =	vadd.f32 v8, v3  }
0x100: {  	v2 =	vld [tilespmem:s21+$0x16440];
	[tilespmem:s13+$0x16450] =	vst v4;
	v7 =	vadd.f32 v10, v7  }
0x101: {  	v4 =	vld [tilespmem:s21+$0x16450];
	[tilespmem:s13+$0x16460] =	vst v3;
	v5 =	vmov v9  }
0x102: {  	s17 =	sadd.s32 $0x100, s17;
	v3 =	vld [tilespmem:s21+$0x16460];
	[tilespmem:s13+$0x16470] =	vst v7;
	v6 =	vmov v11;
	s13 =	smov.u32 s21  }
0x103: {  	v7 =	vld [tilespmem:s13+$0x16470];
	_ =	sdelay $0x1  }
0x104: {  	v2 =	vadd.f32 v5, v2  }
0x105: {  	v4 =	vadd.f32 v6, v4  }
0x106: {  	[tilespmem:s13+$0x16440] =	vst v2;
	v1 =	vadd.f32 v1, v3  }
0x107: {  	[tilespmem:s13+$0x16450] =	vst v4;
	v0 =	vadd.f32 v0, v7  }
0x108: {  	[tilespmem:s13+$0x16460] =	vst v1  }
0x109: {  	s21 =	sadd.s32 $0x2580, s7;
	s17 =	simm.s32 $0x0;
	[tilespmem:s13+$0x16470] =	vst v0  }
0x10a: {  	[hbm4b:s21+s17] =	stream.linear.scatter [tilespmem:s3], [sflag:$0xF], $0x3200, $0x38;
	[tilespmem:$0x1C840] =	vst v63  }
0x10b: {  	_ =	swait.ge [sflag:s4], $0x1A00  }
0x10c: {  	[sflag:s4] =	ssyncset.done $0x0  }
0x10d: {  	[sflag:s4] =	ssyncadd.s32 $0xFFFFE600  }
0x10e: {  	_ =	swait.ge [sflag:s4], $0x1800  }
0x10f: {  	[sflag:s4] =	ssyncset.done $0x0  }
0x110: {  	s13 =	simm.s32 $0x0;
	[sflag:s4] =	ssyncadd.s32 $0xFFFFE800  }
0x111: {  	v5 =	vld [tilespmem:s13+$0x640]  }
0x112: {  	v6 =	vld [tilespmem:s13+$0x650]  }
0x113: {  	v1 =	vld [tilespmem:s13+$0x660]  }
0x114: {  	v0 =	vld [tilespmem:s13+$0x670]  }
0x115: {  	v2 =	vld [tilespmem:s13+$0x19640]  }
0x116: {  	v4 =	vld [tilespmem:s13+$0x19650]  }
0x117: {  	s17 =	simm.s32 $0x100;
	v3 =	vld [tilespmem:s13+$0x19660]  }
.LBB2_17:
0x118: {  	s21 =	sshra.s32 s17, $0x2;
	p0 =	sne.s32 s17, $0xC700;
	v7 =	vld [tilespmem:s13+$0x19670];
	v8 =	vmov v1  }
0x119: {  	v9 =	vld [tilespmem:s21+$0x640];
	v10 =	vmov v0  }
0x11a: {  	v11 =	vld [tilespmem:s21+$0x650];
	v2 =	vadd.f32 v5, v2  }
.Ltmp7:
0x11b: {  	v1 =	vld [tilespmem:s21+$0x660];
	v4 =	vadd.f32 v6, v4;
	(pc) =	sbr.rel @p0 .LBB2_17-.Ltmp7, $4  }
0x11c: {  	v0 =	vld [tilespmem:s21+$0x670];
	[tilespmem:s13+$0x19640] =	vst v2;
	v3 =	vadd.f32 v8, v3  }
0x11d: {  	v2 =	vld [tilespmem:s21+$0x19640];
	[tilespmem:s13+$0x19650] =	vst v4;
	v7 =	vadd.f32 v10, v7  }
0x11e: {  	v4 =	vld [tilespmem:s21+$0x19650];
	[tilespmem:s13+$0x19660] =	vst v3;
	v5 =	vmov v9  }
0x11f: {  	s17 =	sadd.s32 $0x100, s17;
	v3 =	vld [tilespmem:s21+$0x19660];
	[tilespmem:s13+$0x19670] =	vst v7;
	v6 =	vmov v11;
	s13 =	smov.u32 s21  }
0x120: {  	v7 =	vld [tilespmem:s13+$0x19670];
	_ =	sdelay $0x1  }
0x121: {  	v2 =	vadd.f32 v5, v2  }
0x122: {  	v4 =	vadd.f32 v6, v4  }
0x123: {  	[tilespmem:s13+$0x19640] =	vst v2;
	v1 =	vadd.f32 v1, v3  }
0x124: {  	[tilespmem:s13+$0x19650] =	vst v4;
	v0 =	vadd.f32 v0, v7  }
0x125: {  	[tilespmem:s13+$0x19660] =	vst v1  }
0x126: {  	s7 =	sadd.s32 $0x2BC0, s7;
	s21 =	simm.s32 $0x0;
	[tilespmem:s13+$0x19670] =	vst v0  }
0x127: {  	[hbm4b:s7+s21] =	stream.linear.scatter [tilespmem:s19], [sflag:$0x10], $0x3200, $0x38;
	[tilespmem:$0x1C840] =	vst v63  }
0x128: {  	_ =	swait.ge [sflag:s6], $0x3200  }
0x129: {  	[sflag:s6] =	ssyncset.done $0x0  }
0x12a: {  	[sflag:s6] =	ssyncadd.s32 $0xFFFFCE00  }
0x12b: {  	_ =	swait.ge [sflag:s9], $0x3200  }
0x12c: {  	[sflag:s9] =	ssyncset.done $0x0  }
0x12d: {  	[sflag:s9] =	ssyncadd.s32 $0xFFFFCE00  }
0x12e: {  	_ =	swait.ge [sflag:s1], $0x3200  }
0x12f: {  	[sflag:s1] =	ssyncset.done $0x0  }
0x130: {  	[sflag:s1] =	ssyncadd.s32 $0xFFFFCE00  }
0x131: {  	_ =	swait.ge [sflag:s15], $0x3200  }
0x132: {  	[sflag:s15] =	ssyncset.done $0x0  }
0x133: {  	[sflag:s15] =	ssyncadd.s32 $0xFFFFCE00  }
0x134: {  	_ =	swait.ge [sflag:s16], $0x3200  }
0x135: {  	[sflag:s16] =	ssyncset.done $0x0  }
0x136: {  	[sflag:s16] =	ssyncadd.s32 $0xFFFFCE00  }
0x137: {  	_ =	swait.ge [sflag:s18], $0x3200  }
0x138: {  	[sflag:s18] =	ssyncset.done $0x0  }
0x139: {  	s2 =	sadd.s32 $0x1, s2;
	[sflag:s18] =	ssyncadd.s32 $0xFFFFCE00  }
0x13a: {  	p0 =	sne.s32 s2, $0x10;
	_ =	swait.ge [sflag:s20], $0x3200  }
.Ltmp8:
0x13b: {  	[sflag:s20] =	ssyncset.done $0x0;
	(pc) =	sbr.rel @p0 .LBB2_2-.Ltmp8, $4  }
0x13c: {  	[sflag:s20] =	ssyncadd.s32 $0xFFFFCE00  }
0x13d: {  	_ =	swait.ge [sflag:s22], $0x3200  }
0x13e: {  	[sflag:s22] =	ssyncset.done $0x0  }
0x13f: {  	s21 =	simm.s32 $0x3840;
	[sflag:s22] =	ssyncadd.s32 $0xFFFFCE00  }
0x140: {  	s7 =	rddreg [dreg:$0x7]  }
0x141: {  	s2 =	rddreg [dreg:$0x6];
	s7 =	sadd.s32 $0x1, s7  }
0x142: {  	p0 =	sne.s32 s7, s2  }
.Ltmp9:
0x143: {  	_ = 	snop;
	(pc) =	sbr.rel @p0 .LBB2_1-.Ltmp9, $1  }
0x144: {  	_ =	sdelay $0x3  }
0x145: {  	_ =	sfence.sel $0x180000  }
0x146: {  	[bflag:$0x0] =	sbarrier.arrive $0xFFFF  }
0x147: {  	_ =	strace $0x90000047  }
0x148: {  	s0 =	stileid.u32;
	[bflag:$0x2] =	sbarrier.arrive $0xFFFF  }
0x149: {  	p0 =	sne.s32 s0, $0x0;
	s0 =	rddreg [dreg:$0x3]  }
0x14a: {  	s0 =	sadd.s32 @!p0 $0x100000, s0  }
0x14b: {  	[sflag:s0] =	ssyncadd.tile.s32 @!p0 $0x1;
	_ =	shalt  }
.Lfunc_end2:
_tile_overlayer_lowered:
.L_overlay_start_2:
0x14c: {  	(tag) =	ssettag $0x2  }
0x14d: {  	s0 =	rddreg [dreg:$0x0];
	s2 =	stileid.u32  }
0x14e: {  	s1 =	rddreg [dreg:$0x1];
	p0 =	sne.s32 s2, $0x0  }
0x14f: {  	s3 =	rddreg [dreg:$0x2];
	[bflag:$0x3] =	sbarrier.arrive $0xFFFF;
	s2 =	simm.s32 @!p0 $0x1C11  }
0x150: {  	[timem:s3], [sflag:s2] =	dma.local @!p0 [hbm:s0], s1  }
0x151: {  	s0 =	simm.s32 @!p0 $0x11  }
0x152: {  	_ =	swait.ge @!p0 [sflag:s0], s1  }
0x153: {  	s1 =	ssub.s32 @!p0 $0x0, s1;
	[sflag:s0] =	ssyncset.done @!p0 $0x0  }
0x154: {  	[sflag:s0] =	ssyncadd.s32 @!p0 s1  }
0x155: {  	[bflag:$0x3] =	sbarrier.arrive $0xFFFF  }
0x156: {  	_ =	shalt  }

// kernel: sparse-core-data-format-call.cloned.1.call-start
scs
called_computation_lowered:
.L_overlay_start_0:
0x0: {  	s2 =	sld [smem:$0x3FD9]  }
0x1: {  	s3 =	sld [smem:$0x3FFE];
	_ =	sdelay $0x1  }
0x2: {  	s1 =	srdreg.scid  }
0x3: {  	s0 =	sand.u32 $0x1, s1  }
0x4: {  	s18 =	sshll.u32 s0, $0xA;
	s2 =	sadd.s32 s3, s2  }
0x5: {  	s2 =	sadd.s32 s2, s18  }
0x6: {  	[smem:$0x3FC5] =	sst s2  }
0x7: {  	_ = 	snop  }
0x8: {  	s2 =	sld [smem:$0x3FD0];
	(tm) =	ssettm $0x1  }
0x9: {  	s19 =	sld [smem:$0x3FFB];
	_ =	sdelay $0x3  }
0xa: {  	_ =	strace s19  }
0xb: {  	s3 =	sld [smem:$0x3FFC];
	_ =	sdelay $0x3  }
0xc: {  	_ =	strace s3  }
0xd: {  	s3 =	sld [smem:$0x3FFD];
	_ =	sdelay $0x3  }
0xe: {  	_ =	strace s3  }
0xf: {  	_ =	strace $0x8FFFFFFF  }
0x10: {  	s20 =	sld [smem:$0x3FDB];
	_ =	sdelay $0x1  }
0x11: {  	s4 =	simm.s32 $_scs_section_size  }
0x12: {  	s5 =	simm.s32 $_size__tile_overlayer_lowered;
	s6 =	simm.s32 $_tile_overlayer_lowered  }
0x13: {  	s23 =	simm.s32 $0x1BFF;
	s22 =	sshll.u32 s6, $0x1;
	s3 =	sadd.s32 s4, s20  }
0x14: {  	s7 =	simm.s32 $0x0;
	s21 =	sshll.u32 s5, $0x1;
	s5 =	sadd.s32 s22, s3  }
0x15: {  	[timem:s7], [sflag:s23] =	dma.local [hbm:s5], s21  }
0x16: {  	_ =	swait.ge [sflag:s23], s21  }
0x17: {  	s4 =	ssub.s32 $0x0, s21;
	[sflag:s23] =	ssyncset.done $0x0  }
0x18: {  	[sflag:s23] =	ssyncadd.s32 s4;
	_ =	sdelay $0x1  }
0x19: {  	s24 =	simm.s32 $0x1B8B  }
0x1a: {  	_ =	swait.ge [sflag:s24], $0x1  }
0x1b: {  	[sflag:s24] =	ssyncset.done $0x0  }
0x1c: {  	s26 =	simm.s32 $0x1B8E;
	s25 =	sld [smem:$0x3FFE];
	[sflag:s24] =	ssyncadd.s32 $0xFFFFFFFF  }
0x1d: {  	s27 =	simm.s32 $execute0_lowered;
	[smem:$0x3FD2] =	sst s26  }
0x1e: {  	s5 =	sshll.u32 s27, $0x1;
	_ =	strace $0x80000049;
	[dreg:$0x1] =	wrdreg $0xFFFFFFFF  }
0x1f: {  	s28 =	simm.s32 $_size_execute0_lowered;
	s3 =	sadd.s32 s3, s5;
	[dreg:$0x0] =	wrdreg $0x0  }
0x20: {  	s5 =	sshll.u32 s28, $0x1;
	[dreg:$0x2] =	wrdreg s3  }
0x21: {  	[dreg:$0x3] =	wrdreg s5  }
0x22: {  	[dreg:$0x4] =	wrdreg $0xC0  }
0x23: {  	_ =	task [dreg:s7], $0x5FFFF  }
0x24: {  	[dreg:$0x1] =	wrdreg $0xFFFFFFFF  }
0x25: {  	[dreg:$0x0] =	wrdreg $0x60  }
0x26: {  	[dreg:$0x2] =	wrdreg s25  }
0x27: {  	[dreg:$0x3] =	wrdreg s2  }
0x28: {  	[dreg:$0x4] =	wrdreg $0x9  }
0x29: {  	_ =	task.clear_ibuf [dreg:s7], $0x5FFFF;
	_ =	strace $0x90000049  }
0x2a: {  	s29 =	simm.s32 $0x9;
	_ =	strace $0x8000004B  }
0x2b: {  	_ =	swait.ge [sflag:s29], $0x1  }
0x2c: {  	[sflag:s29] =	ssyncadd.s32 $0xFFFFFFFF  }
0x2d: {  	_ =	strace $0x9000004B  }
0x2e: {  	_ =	sfence  }
0x2f: {  	s30 =	sld [smem:$0x0];
	_ =	sdelay $0x2  }
0x30: {  	s31 =	sshll.u32 s1, $0xD;
	s1 =	sshrl.u32 s1, $0x2  }
0x31: {  	s3 =	sand.u32 $0x4000, s31;
	s1 =	sadd.s32 s1, s30  }
0x32: {  	s0 =	sor.u32 s3, s0;
	s1 =	sshll.u32 s1, $0x11  }
0x33: {  	s0 =	sor.u32 s1, s0  }
0x34: {  	s0 =	sadd.s32 $0x8F2B, s0  }
0x35: {  	[sflag:s0] =	ssyncadd.remote.s32 $0x1  }
0x36: {  	_ =	sfence.sel $0xFFFF  }
0x37: {  	[dreg:$0x0] =	wrdreg $0xFFFFFFFF;
	(pc) =	sbr.abs _section_cstart, $3  }
0x38: {  	[dreg:$0x1] =	wrdreg $0xFFFFFFFF  }
0x39: {  	_ =	task.clear_ibuf [dreg:s7], $0x2FFFF;
	_ =	strace $0x9FFFFFFF  }
0x3a: {  	(tm) =	ssettm $0x7FFFFFFF  }
0x3b: {  	_ =	shalt  }
tec
execute0_lowered:
.L_overlay_start_1:
0x0: {  	(tag) =	ssettag $0x1  }
0x1: {  	s0 =	srdreg.scid  }
0x2: {  	s1 =	sshll.u32 s0, $0x4  }
0x3: {  	s0 =	stileid.u32;
	s1 =	sand.u32 $0x10, s1  }
0x4: {  	s1 =	sor.u32 s0, s1  }
0x5: {  	s6 =	rddreg [dreg:$0x0];
	s4 =	simm.s32 $0x1;
	s2 =	sshll.u32 s1, $0x7  }
0x6: {  	s7 =	simm.s32 $0x2;
	s12 =	simm.s32 $0x0;
	s1 =	ssub.s32 $0x1000, s2  }
0x7: {  	s8 =	simm.s32 $0x8000;
	s13 =	simm.s32 $0x0;
	s3 =	sand.u32 $0xF80, s1  }
0x8: {  	s9 =	simm.s32 $0x0;
	s5 =	sshrl.u32 s1, $0xC;
	p0 =	sne.s32 s3, $0x0  }
.Ltmp0:
0x9: {  	s1 =	rddreg [dreg:$0x2];
	s4 =	simm.s32 @!p0 $0x0;
	(pc) =	sbr.rel .LBB1_1-.Ltmp0, $4  }
0xa: {  	s11 =	simm.s32 $0x0;
	s3 =	rddreg [dreg:$0x1];
	s5 =	sadd.s32 s4, s5  }
0xb: {  	_ =	strace $0x8000004A;
	s4 =	simm.s32 $0x1;
	s5 =	smul.u32 $0xC8, s5  }
0xc: {  	s6 =	sadd.s32 $0xA00, s6;
	s10 =	smov.u32 s2;
	[sflag:s4] =	ssyncpa.u1 $0x0  }
0xd: {  	p0 =	por $0x0, $0x0;
	[sflag:s7] =	ssyncpa.u1 $0x0;
	s7 =	sor.u32 $0x1, s5  }
.LBB1_4:
0xe: {  	s16 =	sshll.u32 s13, $0x3;
	s17 =	sand.u32 $0x78, s13  }
0xf: {  	s30 =	sand.u32 $0x7E00, s13;
	s12 =	sshll.u32 s12, $0xF;
	s16 =	sand.u32 $0xC00, s16  }
0x10: {  	[tilespmem:s15+$0x810 ss:$0x81] =	vst.msk $0xffff, v2;
	s31 =	sand.u32 $0x7, s13;
	s16 =	sor.u32 s17, s16;
	s17 =	sadd.s32 s3, s30  }
0x11: {  	[tilespmem:s15+$0x1020 ss:$0x81] =	vst.msk $0xffff, v0;
	s13 =	sshll.u32 s31, $0x12;
	s12 =	sadd.s32 s12, s17;
	s16 =	sshrl.u32 s16, $0x3  }
0x12: {  	[tilespmem:s15+$0x0 ss:$0x81] =	vst.msk $0xffff, v1;
	s13 =	sor.u32 $0x400, s13;
	s12 =	sadd.s32 s16, s12  }
0x13: {  	[hbm4b:s12+s13] =	stream.strided.scatter [tilespmem:s14], [sflag:$0x2], $0x2000, s8, s13, $0x20;
	[tilespmem:$0x8080] =	vst v63  }
.LBB1_5:
0x14: {  	s14 =	sadd.s32 $0x1, s9  }
0x15: {  	s12 =	sadd.s32 $0x1000, s10;
	s16 =	smov.u32 s10;
	p2 =	sgt.s32 s14, $0xC7  }
0x16: {  	s16 =	smov.u32 @p2 s12  }
0x17: {  	s14 =	simm.s32 @p2 $0x0;
	p2 =	sgt.s32 s16, $0xFFF  }
0x18: {  	s16 =	smov.u32 @p2 s2;
	p2 =	sne.s32 s11, s7  }
.Ltmp1:
0x19: {  	p1 =	slt.u32 s11, $0x2;
	(pc) =	sbr.rel @!p2 .LBB1_6-.Ltmp1, $4  }
0x1a: {  	s15 =	simm.s32 @!p1 $0x2  }
0x1b: {  	s13 =	smov.u32 s10;
	p0 =	por !p0, !p0;
	_ =	swait.ge @!p1 [sflag:s15], $0x2000  }
0x1c: {  	s12 =	smov.u32 s9;
	[sflag:s15] =	ssyncset.done @!p1 $0x0;
	s9 =	smov.u32 s14  }
0x1d: {  	s11 =	sadd.s32 $0x1, s11;
	[sflag:s15] =	ssyncadd.s32 @!p1 $0xFFFFE000;
	s10 =	smov.u32 s16  }
.LBB1_1:
0x1e: {  	p1 =	sge.u32 s11, s5  }
0x1f: {  	s14 =	sand.u32 @!p1 $0x1FFFFFF, s9  }
0x20: {  	s15 =	smulhi.u32 @!p1 $0x147AE15, s14;
	_ =	sdelay $0x1  }
0x21: {  	s15 =	smul.u32 @!p1 $0xC8, s15  }
0x22: {  	s16 =	sxor.u32 @!p1 $0xFFFFFFFF, s11;
	s17 =	smul.u32 @!p1 $0xC80, s10  }
0x23: {  	s31 =	sadd.s32 $0xFFFFFFFF, s11;
	s16 =	sshll.u32 @!p1 s16, $0xD;
	s14 =	ssub.s32 @!p1 s14, s15  }
0x24: {  	s15 =	sand.u32 @!p1 $0x2000, s16;
	s16 =	sadd.s32 @!p1 s6, s17;
	s14 =	sshll.u32 @!p1 s14, $0x4  }
0x25: {  	s17 =	simm.s32 @!p1 $0x6400;
	s14 =	sadd.s32 @!p1 s14, s16;
	s16 =	simm.s32 @!p1 $0x40  }
0x26: {  	[tilespmem:s15], [sflag:$0x1] =	stream.strided.gather @!p1 [hbm4b:s14+s16], $0x2000, s17, s16, $0x38;
	[tilespmem:$0x8080] =	vst v63  }
0x27: {  	p1 =	sge.u32 s31, s5  }
.Ltmp2:
0x28: {  	_ = 	snop;
	(pc) =	sbr.rel @p1 .LBB1_5-.Ltmp2, $1  }
0x29: {  	_ =	sdelay $0x3  }
0x2a: {  	s14 =	simm.s32 $0x1  }
0x2b: {  	_ =	swait.ge [sflag:s4], $0x2000;
	s14 =	simm.s32 @!p0 $0x0  }
0x2c: {  	[sflag:s4] =	ssyncset.done $0x0;
	s15 =	sshll.u32 s14, $0xD  }
0x2d: {  	[sflag:s4] =	ssyncadd.s32 $0xFFFFE000;
	s18 =	sor.u32 $0x20, s15  }
0x2e: {  	s14 =	smul.u32 $0x8100, s14;
	v3 =	vld [tilespmem:s18+$0x10]  }
0x2f: {  	s30 =	sand.u32 $0x1, s11;
	v2 =	vld [tilespmem:s18+$0xFFFFFFF0]  }
0x30: {  	s15 =	smul.u32 $0x8100, s30;
	s14 =	sshrl.u32 s14, $0x2;
	v0 =	vld [tilespmem:s18+$0x0]  }
0x31: {  	v1 =	vld [tilespmem:s18+$0xFFFFFFE0];
	s16 =	sor.u32 $0x4000, s14  }
0x32: {  	s31 =	sshrl.u32 s15, $0x2;
	s15 =	sadd.s32 $0x0, s16  }
0x33: {  	s17 =	simm.s32 $0x4;
	s18 =	sadd.s32 $0x40, s18;
	s14 =	sor.u32 $0x4000, s31;
	[tilespmem:s15+$0x1830 ss:$0x81] =	vst.msk $0xffff, v3  }
.LBB1_3:
0x34: {  	v3 =	vld [tilespmem:s18+$0x10];
	p1 =	sne.s32 s17, $0x1FC;
	[tilespmem:s15+$0x810 ss:$0x81] =	vst.msk $0xffff, v2;
	s19 =	smov.u32 s17;
	s17 =	sadd.s32 $0x4, s17  }
.Ltmp3:
0x35: {  	v2 =	vld [tilespmem:s18+$0xFFFFFFF0];
	[tilespmem:s15+$0x1020 ss:$0x81] =	vst.msk $0xffff, v0;
	(pc) =	sbr.rel @p1 .LBB1_3-.Ltmp3, $4  }
0x36: {  	v0 =	vld [tilespmem:s18+$0x0];
	[tilespmem:s15+$0x0 ss:$0x81] =	vst.msk $0xffff, v1  }
0x37: {  	s15 =	sshra.s32 s19, $0x2;
	v1 =	vld [tilespmem:s18+$0xFFFFFFE0]  }
0x38: {  	s15 =	sadd.s32 s15, s16  }
0x39: {  	s18 =	sadd.s32 $0x40, s18;
	[tilespmem:s15+$0x1830 ss:$0x81] =	vst.msk $0xffff, v3  }
.Ltmp4:
0x3a: {  	_ = 	snop;
	(pc) =	sbr.rel .LBB1_4-.Ltmp4, $1  }
0x3b: {  	_ =	sdelay $0x3  }
.LBB1_6:
0x3c: {  	_ =	sfence.sel $0x180000  }
0x3d: {  	s2 =	simm.s32 $0x1;
	[bflag:$0x0] =	sbarrier.arrive $0xFFFF  }
0x3e: {  	s31 =	simm.s32 $0x2;
	[sflag:s2] =	ssyncpa.u1 $0x1  }
0x3f: {  	[sflag:s31] =	ssyncpa.u1 $0x1  }
0x40: {  	p0 =	sne.s32 s0, $0x0;
	_ =	strace $0x9000004A  }
0x41: {  	s0 =	sadd.s32 @!p0 $0x100000, s1;
	[bflag:$0x2] =	sbarrier.arrive $0xFFFF  }
0x42: {  	[sflag:s0] =	ssyncadd.tile.s32 @!p0 $0x1;
	_ =	shalt  }
.Lfunc_end1:
_tile_overlayer_lowered:
.L_overlay_start_2:
0x43: {  	(tag) =	ssettag $0x2  }
0x44: {  	s0 =	rddreg [dreg:$0x0];
	s2 =	stileid.u32  }
0x45: {  	s1 =	rddreg [dreg:$0x1];
	p0 =	sne.s32 s2, $0x0  }
0x46: {  	s3 =	rddreg [dreg:$0x2];
	[bflag:$0x3] =	sbarrier.arrive $0xFFFF;
	s2 =	simm.s32 @!p0 $0x1C01  }
0x47: {  	[timem:s3], [sflag:s2] =	dma.local @!p0 [hbm:s0], s1  }
0x48: {  	s0 =	simm.s32 @!p0 $0x1  }
0x49: {  	_ =	swait.ge @!p0 [sflag:s0], s1  }
0x4a: {  	s1 =	ssub.s32 @!p0 $0x0, s1;
	[sflag:s0] =	ssyncset.done @!p0 $0x0  }
0x4b: {  	[sflag:s0] =	ssyncadd.s32 @!p0 s1  }
0x4c: {  	[bflag:$0x3] =	sbarrier.arrive $0xFFFF  }
0x4d: {  	_ =	shalt  }

</sc_bundles>
